<compile_context>
chip_gen: v7x
topology: tpu7x:2x2x1
jax: 0.10.2.dev20260603
libtpu: 0.0.44.dev20260713+nightly
codegen_flags: <defaults>
</compile_context>

<pallas_src>
import jax
import jax.numpy as jnp
from jax import lax
from jax.experimental import pallas as pl
from jax.experimental.pallas import tpu as pltpu, tpu_sc as plsc

_M, _N = 16384, 1024
_NC, _NS, _L = 2, 16, 16
_NW = _NC * _NS
_ROWS_W = _M // _NW
_CR = 8
_NBUF = 8
_LOOK = 6
_NCHUNKS = _ROWS_W // _CR
_VPR = _N // _L


def _sc_body(x_hbm, o_hbm, *scratch):
    bufs = scratch[:_NBUF]
    isems = scratch[_NBUF:2 * _NBUF]
    osems = scratch[2 * _NBUF:3 * _NBUF]
    wid = lax.axis_index("s") * _NC + lax.axis_index("c")
    base = wid * _ROWS_W

    def in_slice(c):
        return x_hbm.at[pl.ds(base + c * _CR, _CR), :]

    def out_slice(c):
        return o_hbm.at[pl.ds(base + c * _CR, _CR), :]

    for k in range(_LOOK):
        pltpu.async_copy(in_slice(k), bufs[k % _NBUF], isems[k % _NBUF])

    @pl.loop(0, _NCHUNKS, step=_NBUF)
    def _ring(c0):
        for b in range(_NBUF):
            c = c0 + b
            pltpu.make_async_copy(in_slice(c), bufs[b], isems[b]).wait()
            k = c + _LOOK
            kb = (b + _LOOK) % _NBUF

            @pl.when(k < _NCHUNKS)
            def _prefetch():
                @pl.when(k >= _NBUF)
                def _reclaim():
                    pltpu.make_async_copy(
                        bufs[kb], out_slice(k - _NBUF), osems[kb]
                    ).wait()

                pltpu.async_copy(in_slice(k), bufs[kb], isems[kb])

            @pl.loop(0, _CR)
            def _rows(r, buf=bufs[b]):
                @plsc.parallel_loop(0, _VPR, unroll=8)
                def _vecs(j):
                    v = buf[r, pl.ds(j * _L, _L)]
                    buf[r, pl.ds(j * _L, _L)] = v + v - 1.0

            pltpu.async_copy(bufs[b], out_slice(c), osems[b])

    for c in range(_NCHUNKS - _NBUF, _NCHUNKS):
        b = c % _NBUF
        pltpu.make_async_copy(bufs[b], out_slice(c), osems[b]).wait()


@jax.jit
def kernel(x):
    mesh = plsc.VectorSubcoreMesh(core_axis_name="c", subcore_axis_name="s")
    return pl.kernel(
        _sc_body,
        out_type=jax.ShapeDtypeStruct((_M, _N), jnp.float32),
        mesh=mesh,
        scratch_types=(
            [pltpu.VMEM((_CR, _N), jnp.float32) for _ in range(_NBUF)]
            + [pltpu.SemaphoreType.DMA for _ in range(2 * _NBUF)]
        ),
    )(x)

# --- scband reference (transcript-rebuilt; emitter-appended) ---
"""Pipeline reference for scband-pt-module-76166950027823 (READ-ONLY COPY).

The authoritative reference and input builder live on the scoring server;
editing this copy changes nothing except your own understanding.
"""

import jax, jax.numpy as jnp
import numpy as np

def setup_inputs(seed: int = 0) -> dict:
    key = jax.random.key(seed)
    x = jax.random.normal(key, (16384, 1024), dtype=jnp.float32)
    return {"x": x}

def reference(x):
    # Faithful translation: x = x + 1; x = x * 2; then the nested loops
    # subtract 3 from every element x[i][j], which is exactly x - 3 elementwise.
    x = x + 1
    x = x * 2
    x = x - 3
    return x

if __name__ == "__main__":
    import jax
    _d = setup_inputs()
    print(jax.jit(kernel)(*tuple(_d.values())))

</pallas_src>

<mosaic_0001>
#map = affine_map<(d0, d1) -> (0, 0)>
module attributes {stable_mosaic.version = 14 : i64} {
  func.func @_sc_body(%arg0: i32, %arg1: i32, %arg2: memref<16384x1024xf32, #tpu.memory_space<hbm>>, %arg3: memref<16384x1024xf32, #tpu.memory_space<hbm>>, %arg4: memref<8x1024xf32, #tpu.memory_space<vmem>>, %arg5: memref<8x1024xf32, #tpu.memory_space<vmem>>, %arg6: memref<8x1024xf32, #tpu.memory_space<vmem>>, %arg7: memref<8x1024xf32, #tpu.memory_space<vmem>>, %arg8: memref<8x1024xf32, #tpu.memory_space<vmem>>, %arg9: memref<8x1024xf32, #tpu.memory_space<vmem>>, %arg10: memref<8x1024xf32, #tpu.memory_space<vmem>>, %arg11: memref<8x1024xf32, #tpu.memory_space<vmem>>, %arg12: memref<!tpu.dma_semaphore, #tpu.memory_space<semaphore_mem>>, %arg13: memref<!tpu.dma_semaphore, #tpu.memory_space<semaphore_mem>>, %arg14: memref<!tpu.dma_semaphore, #tpu.memory_space<semaphore_mem>>, %arg15: memref<!tpu.dma_semaphore, #tpu.memory_space<semaphore_mem>>, %arg16: memref<!tpu.dma_semaphore, #tpu.memory_space<semaphore_mem>>, %arg17: memref<!tpu.dma_semaphore, #tpu.memory_space<semaphore_mem>>, %arg18: memref<!tpu.dma_semaphore, #tpu.memory_space<semaphore_mem>>, %arg19: memref<!tpu.dma_semaphore, #tpu.memory_space<semaphore_mem>>, %arg20: memref<!tpu.dma_semaphore, #tpu.memory_space<semaphore_mem>>, %arg21: memref<!tpu.dma_semaphore, #tpu.memory_space<semaphore_mem>>, %arg22: memref<!tpu.dma_semaphore, #tpu.memory_space<semaphore_mem>>, %arg23: memref<!tpu.dma_semaphore, #tpu.memory_space<semaphore_mem>>, %arg24: memref<!tpu.dma_semaphore, #tpu.memory_space<semaphore_mem>>, %arg25: memref<!tpu.dma_semaphore, #tpu.memory_space<semaphore_mem>>, %arg26: memref<!tpu.dma_semaphore, #tpu.memory_space<semaphore_mem>>, %arg27: memref<!tpu.dma_semaphore, #tpu.memory_space<semaphore_mem>>) attributes {dimension_semantics = [#tpu.dimension_semantics<core_parallel>, #tpu.dimension_semantics<subcore_parallel>], iteration_bounds = array<i64: 2, 16>, scalar_prefetch = 0 : i64, scratch_operands = 24 : i64, tpu.core_type = #tpu.core_type<sc_vector_subcore>, window_params = [{transform_indices = #map}, {transform_indices = #map}]} {
    %mul3A = arith.constant 2 : i32
    %mul3A_0 = arith.muli %arg1, %mul3A : i32
    %add3A = arith.addi %mul3A_0, %arg0 : i32
    %mul3A_1 = arith.constant 512 : i32
    %mul3A_2 = arith.muli %add3A, %mul3A_1 : i32
    %add3A_3 = arith.constant 0 : i32
    %add3A_4 = arith.addi %mul3A_2, %add3A_3 : i32
    %dma_start3A = arith.constant 0 : i32
    %dma_start3A_5 = tpu.memref_slice %arg2[%add3A_4, %dma_start3A] : memref<16384x1024xf32, #tpu.memory_space<hbm>> -> memref<8x1024xf32, #tpu.memory_space<hbm>>
    %dma_start3A_6 = arith.constant 0 : i32
    %dma_start3A_7 = tpu.memref_slice %arg2[%add3A_4, %dma_start3A_6] : memref<16384x1024xf32, #tpu.memory_space<hbm>> -> memref<8x1024xf32, #tpu.memory_space<hbm>>
    tpu.enqueue_dma source(%dma_start3A_7 : memref<8x1024xf32, #tpu.memory_space<hbm>>) target(%arg4 : memref<8x1024xf32, #tpu.memory_space<vmem>>) target_semaphore(%arg12 : memref<!tpu.dma_semaphore, #tpu.memory_space<semaphore_mem>>)
    %add3A_8 = arith.constant 8 : i32
    %add3A_9 = arith.addi %mul3A_2, %add3A_8 : i32
    %dma_start3A_10 = arith.constant 0 : i32
    %dma_start3A_11 = tpu.memref_slice %arg2[%add3A_9, %dma_start3A_10] : memref<16384x1024xf32, #tpu.memory_space<hbm>> -> memref<8x1024xf32, #tpu.memory_space<hbm>>
    %dma_start3A_12 = arith.constant 0 : i32
    %dma_start3A_13 = tpu.memref_slice %arg2[%add3A_9, %dma_start3A_12] : memref<16384x1024xf32, #tpu.memory_space<hbm>> -> memref<8x1024xf32, #tpu.memory_space<hbm>>
    tpu.enqueue_dma source(%dma_start3A_13 : memref<8x1024xf32, #tpu.memory_space<hbm>>) target(%arg5 : memref<8x1024xf32, #tpu.memory_space<vmem>>) target_semaphore(%arg13 : memref<!tpu.dma_semaphore, #tpu.memory_space<semaphore_mem>>)
    %add3A_14 = arith.constant 16 : i32
    %add3A_15 = arith.addi %mul3A_2, %add3A_14 : i32
    %dma_start3A_16 = arith.constant 0 : i32
    %dma_start3A_17 = tpu.memref_slice %arg2[%add3A_15, %dma_start3A_16] : memref<16384x1024xf32, #tpu.memory_space<hbm>> -> memref<8x1024xf32, #tpu.memory_space<hbm>>
    %dma_start3A_18 = arith.constant 0 : i32
    %dma_start3A_19 = tpu.memref_slice %arg2[%add3A_15, %dma_start3A_18] : memref<16384x1024xf32, #tpu.memory_space<hbm>> -> memref<8x1024xf32, #tpu.memory_space<hbm>>
    tpu.enqueue_dma source(%dma_start3A_19 : memref<8x1024xf32, #tpu.memory_space<hbm>>) target(%arg6 : memref<8x1024xf32, #tpu.memory_space<vmem>>) target_semaphore(%arg14 : memref<!tpu.dma_semaphore, #tpu.memory_space<semaphore_mem>>)
    %add3A_20 = arith.constant 24 : i32
    %add3A_21 = arith.addi %mul3A_2, %add3A_20 : i32
    %dma_start3A_22 = arith.constant 0 : i32
    %dma_start3A_23 = tpu.memref_slice %arg2[%add3A_21, %dma_start3A_22] : memref<16384x1024xf32, #tpu.memory_space<hbm>> -> memref<8x1024xf32, #tpu.memory_space<hbm>>
    %dma_start3A_24 = arith.constant 0 : i32
    %dma_start3A_25 = tpu.memref_slice %arg2[%add3A_21, %dma_start3A_24] : memref<16384x1024xf32, #tpu.memory_space<hbm>> -> memref<8x1024xf32, #tpu.memory_space<hbm>>
    tpu.enqueue_dma source(%dma_start3A_25 : memref<8x1024xf32, #tpu.memory_space<hbm>>) target(%arg7 : memref<8x1024xf32, #tpu.memory_space<vmem>>) target_semaphore(%arg15 : memref<!tpu.dma_semaphore, #tpu.memory_space<semaphore_mem>>)
    %add3A_26 = arith.constant 32 : i32
    %add3A_27 = arith.addi %mul3A_2, %add3A_26 : i32
    %dma_start3A_28 = arith.constant 0 : i32
    %dma_start3A_29 = tpu.memref_slice %arg2[%add3A_27, %dma_start3A_28] : memref<16384x1024xf32, #tpu.memory_space<hbm>> -> memref<8x1024xf32, #tpu.memory_space<hbm>>
    %dma_start3A_30 = arith.constant 0 : i32
    %dma_start3A_31 = tpu.memref_slice %arg2[%add3A_27, %dma_start3A_30] : memref<16384x1024xf32, #tpu.memory_space<hbm>> -> memref<8x1024xf32, #tpu.memory_space<hbm>>
    tpu.enqueue_dma source(%dma_start3A_31 : memref<8x1024xf32, #tpu.memory_space<hbm>>) target(%arg8 : memref<8x1024xf32, #tpu.memory_space<vmem>>) target_semaphore(%arg16 : memref<!tpu.dma_semaphore, #tpu.memory_space<semaphore_mem>>)
    %add3A_32 = arith.constant 40 : i32
    %add3A_33 = arith.addi %mul3A_2, %add3A_32 : i32
    %dma_start3A_34 = arith.constant 0 : i32
    %dma_start3A_35 = tpu.memref_slice %arg2[%add3A_33, %dma_start3A_34] : memref<16384x1024xf32, #tpu.memory_space<hbm>> -> memref<8x1024xf32, #tpu.memory_space<hbm>>
    %dma_start3A_36 = arith.constant 0 : i32
    %dma_start3A_37 = tpu.memref_slice %arg2[%add3A_33, %dma_start3A_36] : memref<16384x1024xf32, #tpu.memory_space<hbm>> -> memref<8x1024xf32, #tpu.memory_space<hbm>>
    tpu.enqueue_dma source(%dma_start3A_37 : memref<8x1024xf32, #tpu.memory_space<hbm>>) target(%arg9 : memref<8x1024xf32, #tpu.memory_space<vmem>>) target_semaphore(%arg17 : memref<!tpu.dma_semaphore, #tpu.memory_space<semaphore_mem>>)
    %scan3A = arith.constant 0 : i32
    %scan3A_38 = arith.constant 8 : i32
    %scan3A_39 = arith.addi %scan3A, %scan3A_38 : i32
    %scan3A_40 = arith.constant 1 : i32
    scf.for %scan3A_89 = %scan3A to %scan3A_39 step %scan3A_40  : i32 {
      %mul3A_90 = arith.constant 8 : i32
      %mul3A_91 = arith.muli %scan3A_89, %mul3A_90 : i32
      %add3A_92 = arith.constant 0 : i32
      %add3A_93 = arith.addi %add3A_92, %mul3A_91 : i32
      %add3A_94 = arith.constant 0 : i32
      %add3A_95 = arith.addi %add3A_93, %add3A_94 : i32
      %mul3A_96 = arith.constant 8 : i32
      %mul3A_97 = arith.muli %add3A_95, %mul3A_96 : i32
      %add3A_98 = arith.addi %mul3A_2, %mul3A_97 : i32
      %dma_wait3A_99 = arith.constant 0 : i32
      %dma_wait3A_100 = tpu.memref_slice %arg2[%add3A_98, %dma_wait3A_99] : memref<16384x1024xf32, #tpu.memory_space<hbm>> -> memref<8x1024xf32, #tpu.memory_space<hbm>>
      %dma_wait3A_101 = arith.constant 0 : i32
      %dma_wait3A_102 = tpu.memref_slice %arg2[%add3A_98, %dma_wait3A_101] : memref<16384x1024xf32, #tpu.memory_space<hbm>> -> memref<8x1024xf32, #tpu.memory_space<hbm>>
      tpu.wait_dma2 semaphore(%arg12 : memref<!tpu.dma_semaphore, #tpu.memory_space<semaphore_mem>>) src(%dma_wait3A_102 : memref<8x1024xf32, #tpu.memory_space<hbm>>) dst(%arg4 : memref<8x1024xf32, #tpu.memory_space<vmem>>)
      %add3A_103 = arith.constant 6 : i32
      %add3A_104 = arith.addi %add3A_95, %add3A_103 : i32
      %lt3A = arith.constant 64 : i32
      %lt3A_105 = arith.cmpi slt, %add3A_104, %lt3A : i32
      %convert_element_type3A = arith.extui %lt3A_105 : i1 to i32
      %cond3A = arith.constant 0 : i32
      %cond3A_106 = arith.cmpi ne, %convert_element_type3A, %cond3A : i32
      scf.if %cond3A_106 {
        %ge3A = arith.constant 8 : i32
        %ge3A_315 = arith.cmpi sge, %add3A_104, %ge3A : i32
        %convert_element_type3A_316 = arith.extui %ge3A_315 : i1 to i32
        %cond3A_317 = arith.constant 0 : i32
        %cond3A_318 = arith.cmpi ne, %convert_element_type3A_316, %cond3A_317 : i32
        scf.if %cond3A_318 {
          %sub3A = arith.constant 8 : i32
          %sub3A_326 = arith.subi %add3A_104, %sub3A : i32
          %mul3A_327 = arith.constant 8 : i32
          %mul3A_328 = arith.muli %sub3A_326, %mul3A_327 : i32
          %add3A_329 = arith.addi %mul3A_2, %mul3A_328 : i32
          %dma_wait3A_330 = arith.constant 0 : i32
          %dma_wait3A_331 = tpu.memref_slice %arg3[%add3A_329, %dma_wait3A_330] : memref<16384x1024xf32, #tpu.memory_space<hbm>> -> memref<8x1024xf32, #tpu.memory_space<hbm>>
          %dma_wait3A_332 = arith.constant 0 : i32
          %dma_wait3A_333 = tpu.memref_slice %arg3[%add3A_329, %dma_wait3A_332] : memref<16384x1024xf32, #tpu.memory_space<hbm>> -> memref<8x1024xf32, #tpu.memory_space<hbm>>
          tpu.wait_dma2 semaphore(%arg26 : memref<!tpu.dma_semaphore, #tpu.memory_space<semaphore_mem>>) src(%arg10 : memref<8x1024xf32, #tpu.memory_space<vmem>>) dst(%dma_wait3A_333 : memref<8x1024xf32, #tpu.memory_space<hbm>>)
        } else {
        }
        %mul3A_319 = arith.constant 8 : i32
        %mul3A_320 = arith.muli %add3A_104, %mul3A_319 : i32
        %add3A_321 = arith.addi %mul3A_2, %mul3A_320 : i32
        %dma_start3A_322 = arith.constant 0 : i32
        %dma_start3A_323 = tpu.memref_slice %arg2[%add3A_321, %dma_start3A_322] : memref<16384x1024xf32, #tpu.memory_space<hbm>> -> memref<8x1024xf32, #tpu.memory_space<hbm>>
        %dma_start3A_324 = arith.constant 0 : i32
        %dma_start3A_325 = tpu.memref_slice %arg2[%add3A_321, %dma_start3A_324] : memref<16384x1024xf32, #tpu.memory_space<hbm>> -> memref<8x1024xf32, #tpu.memory_space<hbm>>
        tpu.enqueue_dma source(%dma_start3A_325 : memref<8x1024xf32, #tpu.memory_space<hbm>>) target(%arg10 : memref<8x1024xf32, #tpu.memory_space<vmem>>) target_semaphore(%arg18 : memref<!tpu.dma_semaphore, #tpu.memory_space<semaphore_mem>>)
      } else {
      }
      %scan3A_107 = arith.constant 0 : i32
      %scan3A_108 = arith.constant 8 : i32
      %scan3A_109 = arith.addi %scan3A_107, %scan3A_108 : i32
      %scan3A_110 = arith.constant 1 : i32
      scf.for %scan3A_315 = %scan3A_107 to %scan3A_109 step %scan3A_110  : i32 {
        %mul3A_316 = arith.constant 1 : i32
        %mul3A_317 = arith.muli %scan3A_315, %mul3A_316 : i32
        %add3A_318 = arith.constant 0 : i32
        %add3A_319 = arith.addi %add3A_318, %mul3A_317 : i32
        %parallel_loop3A = arith.constant 0 : i32
        %parallel_loop3A_320 = arith.constant 64 : i32
        %parallel_loop3A_321 = arith.constant 1 : i32
        scf.for %parallel_loop3A_322 = %parallel_loop3A to %parallel_loop3A_320 step %parallel_loop3A_321  : i32 {
          %parallel_loop3A_323 = arith.constant 16 : i32
          %parallel_loop3A_324 = arith.muli %parallel_loop3A_322, %parallel_loop3A_323 : i32
          %parallel_loop3A_325 = arith.index_cast %add3A_319 : i32 to index
          %parallel_loop3A_326 = arith.index_cast %parallel_loop3A_324 : i32 to index
          %parallel_loop3A_327 = tpu.vector_load %arg4[%parallel_loop3A_325, %parallel_loop3A_326] {strides = array<i32>} : memref<8x1024xf32, #tpu.memory_space<vmem>>, vector<1x16xf32>,
          %parallel_loop3A_328 = vector.shape_cast %parallel_loop3A_327 : vector<1x16xf32> to vector<16xf32>
          %parallel_loop3A_329 = arith.addf %parallel_loop3A_328, %parallel_loop3A_328 : vector<16xf32>
          %parallel_loop3A_330 = arith.constant 1.000000e+00 : f32
          %parallel_loop3A_331 = vector.broadcast %parallel_loop3A_330 : f32 to vector<16xf32>
          %parallel_loop3A_332 = arith.subf %parallel_loop3A_329, %parallel_loop3A_331 : vector<16xf32>
          %parallel_loop3A_333 = arith.constant 16 : i32
          %parallel_loop3A_334 = arith.muli %parallel_loop3A_322, %parallel_loop3A_333 : i32
          %parallel_loop3A_335 = arith.index_cast %add3A_319 : i32 to index
          %parallel_loop3A_336 = arith.index_cast %parallel_loop3A_334 : i32 to index
          %parallel_loop3A_337 = tpu.vector_load %arg4[%parallel_loop3A_335, %parallel_loop3A_336] {strides = array<i32>} : memref<8x1024xf32, #tpu.memory_space<vmem>>, vector<1x16xf32>,
          %parallel_loop3A_338 = vector.shape_cast %parallel_loop3A_337 : vector<1x16xf32> to vector<16xf32>
          %parallel_loop3A_339 = vector.shape_cast %parallel_loop3A_332 : vector<16xf32> to vector<1x16xf32>
          tpu.vector_store %arg4[%parallel_loop3A_335, %parallel_loop3A_336], %parallel_loop3A_339 {strides = array<i32>} : memref<8x1024xf32, #tpu.memory_space<vmem>>, vector<1x16xf32>,
        } {sc.loop_unroll_factor = 8 : i64, sc.parallel_access}
      }
      %scan3A_111 = arith.constant 8 : i32
      %mul3A_112 = arith.constant 8 : i32
      %mul3A_113 = arith.muli %add3A_95, %mul3A_112 : i32
      %add3A_114 = arith.addi %mul3A_2, %mul3A_113 : i32
      %dma_start3A_115 = arith.constant 0 : i32
      %dma_start3A_116 = tpu.memref_slice %arg3[%add3A_114, %dma_start3A_115] : memref<16384x1024xf32, #tpu.memory_space<hbm>> -> memref<8x1024xf32, #tpu.memory_space<hbm>>
      %dma_start3A_117 = arith.constant 0 : i32
      %dma_start3A_118 = tpu.memref_slice %arg3[%add3A_114, %dma_start3A_117] : memref<16384x1024xf32, #tpu.memory_space<hbm>> -> memref<8x1024xf32, #tpu.memory_space<hbm>>
      tpu.enqueue_dma source(%arg4 : memref<8x1024xf32, #tpu.memory_space<vmem>>) target(%dma_start3A_118 : memref<8x1024xf32, #tpu.memory_space<hbm>>) target_semaphore(%arg20 : memref<!tpu.dma_semaphore, #tpu.memory_space<semaphore_mem>>)
      %add3A_119 = arith.constant 1 : i32
      %add3A_120 = arith.addi %add3A_93, %add3A_119 : i32
      %mul3A_121 = arith.constant 8 : i32
      %mul3A_122 = arith.muli %add3A_120, %mul3A_121 : i32
      %add3A_123 = arith.addi %mul3A_2, %mul3A_122 : i32
      %dma_wait3A_124 = arith.constant 0 : i32
      %dma_wait3A_125 = tpu.memref_slice %arg2[%add3A_123, %dma_wait3A_124] : memref<16384x1024xf32, #tpu.memory_space<hbm>> -> memref<8x1024xf32, #tpu.memory_space<hbm>>
      %dma_wait3A_126 = arith.constant 0 : i32
      %dma_wait3A_127 = tpu.memref_slice %arg2[%add3A_123, %dma_wait3A_126] : memref<16384x1024xf32, #tpu.memory_space<hbm>> -> memref<8x1024xf32, #tpu.memory_space<hbm>>
      tpu.wait_dma2 semaphore(%arg13 : memref<!tpu.dma_semaphore, #tpu.memory_space<semaphore_mem>>) src(%dma_wait3A_127 : memref<8x1024xf32, #tpu.memory_space<hbm>>) dst(%arg5 : memref<8x1024xf32, #tpu.memory_space<vmem>>)
      %add3A_128 = arith.constant 6 : i32
      %add3A_129 = arith.addi %add3A_120, %add3A_128 : i32
      %lt3A_130 = arith.constant 64 : i32
      %lt3A_131 = arith.cmpi slt, %add3A_129, %lt3A_130 : i32
      %convert_element_type3A_132 = arith.extui %lt3A_131 : i1 to i32
      %cond3A_133 = arith.constant 0 : i32
      %cond3A_134 = arith.cmpi ne, %convert_element_type3A_132, %cond3A_133 : i32
      scf.if %cond3A_134 {
        %ge3A = arith.constant 8 : i32
        %ge3A_315 = arith.cmpi sge, %add3A_129, %ge3A : i32
        %convert_element_type3A_316 = arith.extui %ge3A_315 : i1 to i32
        %cond3A_317 = arith.constant 0 : i32
        %cond3A_318 = arith.cmpi ne, %convert_element_type3A_316, %cond3A_317 : i32
        scf.if %cond3A_318 {
          %sub3A = arith.constant 8 : i32
          %sub3A_326 = arith.subi %add3A_129, %sub3A : i32
          %mul3A_327 = arith.constant 8 : i32
          %mul3A_328 = arith.muli %sub3A_326, %mul3A_327 : i32
          %add3A_329 = arith.addi %mul3A_2, %mul3A_328 : i32
          %dma_wait3A_330 = arith.constant 0 : i32
          %dma_wait3A_331 = tpu.memref_slice %arg3[%add3A_329, %dma_wait3A_330] : memref<16384x1024xf32, #tpu.memory_space<hbm>> -> memref<8x1024xf32, #tpu.memory_space<hbm>>
          %dma_wait3A_332 = arith.constant 0 : i32
          %dma_wait3A_333 = tpu.memref_slice %arg3[%add3A_329, %dma_wait3A_332] : memref<16384x1024xf32, #tpu.memory_space<hbm>> -> memref<8x1024xf32, #tpu.memory_space<hbm>>
          tpu.wait_dma2 semaphore(%arg27 : memref<!tpu.dma_semaphore, #tpu.memory_space<semaphore_mem>>) src(%arg11 : memref<8x1024xf32, #tpu.memory_space<vmem>>) dst(%dma_wait3A_333 : memref<8x1024xf32, #tpu.memory_space<hbm>>)
        } else {
        }
        %mul3A_319 = arith.constant 8 : i32
        %mul3A_320 = arith.muli %add3A_129, %mul3A_319 : i32
        %add3A_321 = arith.addi %mul3A_2, %mul3A_320 : i32
        %dma_start3A_322 = arith.constant 0 : i32
        %dma_start3A_323 = tpu.memref_slice %arg2[%add3A_321, %dma_start3A_322] : memref<16384x1024xf32, #tpu.memory_space<hbm>> -> memref<8x1024xf32, #tpu.memory_space<hbm>>
        %dma_start3A_324 = arith.constant 0 : i32
        %dma_start3A_325 = tpu.memref_slice %arg2[%add3A_321, %dma_start3A_324] : memref<16384x1024xf32, #tpu.memory_space<hbm>> -> memref<8x1024xf32, #tpu.memory_space<hbm>>
        tpu.enqueue_dma source(%dma_start3A_325 : memref<8x1024xf32, #tpu.memory_space<hbm>>) target(%arg11 : memref<8x1024xf32, #tpu.memory_space<vmem>>) target_semaphore(%arg19 : memref<!tpu.dma_semaphore, #tpu.memory_space<semaphore_mem>>)
      } else {
      }
      %scan3A_135 = arith.constant 0 : i32
      %scan3A_136 = arith.constant 8 : i32
      %scan3A_137 = arith.addi %scan3A_135, %scan3A_136 : i32
      %scan3A_138 = arith.constant 1 : i32
      scf.for %scan3A_315 = %scan3A_135 to %scan3A_137 step %scan3A_138  : i32 {
        %mul3A_316 = arith.constant 1 : i32
        %mul3A_317 = arith.muli %scan3A_315, %mul3A_316 : i32
        %add3A_318 = arith.constant 0 : i32
        %add3A_319 = arith.addi %add3A_318, %mul3A_317 : i32
        %parallel_loop3A = arith.constant 0 : i32
        %parallel_loop3A_320 = arith.constant 64 : i32
        %parallel_loop3A_321 = arith.constant 1 : i32
        scf.for %parallel_loop3A_322 = %parallel_loop3A to %parallel_loop3A_320 step %parallel_loop3A_321  : i32 {
          %parallel_loop3A_323 = arith.constant 16 : i32
          %parallel_loop3A_324 = arith.muli %parallel_loop3A_322, %parallel_loop3A_323 : i32
          %parallel_loop3A_325 = arith.index_cast %add3A_319 : i32 to index
          %parallel_loop3A_326 = arith.index_cast %parallel_loop3A_324 : i32 to index
          %parallel_loop3A_327 = tpu.vector_load %arg5[%parallel_loop3A_325, %parallel_loop3A_326] {strides = array<i32>} : memref<8x1024xf32, #tpu.memory_space<vmem>>, vector<1x16xf32>,
          %parallel_loop3A_328 = vector.shape_cast %parallel_loop3A_327 : vector<1x16xf32> to vector<16xf32>
          %parallel_loop3A_329 = arith.addf %parallel_loop3A_328, %parallel_loop3A_328 : vector<16xf32>
          %parallel_loop3A_330 = arith.constant 1.000000e+00 : f32
          %parallel_loop3A_331 = vector.broadcast %parallel_loop3A_330 : f32 to vector<16xf32>
          %parallel_loop3A_332 = arith.subf %parallel_loop3A_329, %parallel_loop3A_331 : vector<16xf32>
          %parallel_loop3A_333 = arith.constant 16 : i32
          %parallel_loop3A_334 = arith.muli %parallel_loop3A_322, %parallel_loop3A_333 : i32
          %parallel_loop3A_335 = arith.index_cast %add3A_319 : i32 to index
          %parallel_loop3A_336 = arith.index_cast %parallel_loop3A_334 : i32 to index
          %parallel_loop3A_337 = tpu.vector_load %arg5[%parallel_loop3A_335, %parallel_loop3A_336] {strides = array<i32>} : memref<8x1024xf32, #tpu.memory_space<vmem>>, vector<1x16xf32>,
          %parallel_loop3A_338 = vector.shape_cast %parallel_loop3A_337 : vector<1x16xf32> to vector<16xf32>
          %parallel_loop3A_339 = vector.shape_cast %parallel_loop3A_332 : vector<16xf32> to vector<1x16xf32>
          tpu.vector_store %arg5[%parallel_loop3A_335, %parallel_loop3A_336], %parallel_loop3A_339 {strides = array<i32>} : memref<8x1024xf32, #tpu.memory_space<vmem>>, vector<1x16xf32>,
        } {sc.loop_unroll_factor = 8 : i64, sc.parallel_access}
      }
      %scan3A_139 = arith.constant 8 : i32
      %mul3A_140 = arith.constant 8 : i32
      %mul3A_141 = arith.muli %add3A_120, %mul3A_140 : i32
      %add3A_142 = arith.addi %mul3A_2, %mul3A_141 : i32
      %dma_start3A_143 = arith.constant 0 : i32
      %dma_start3A_144 = tpu.memref_slice %arg3[%add3A_142, %dma_start3A_143] : memref<16384x1024xf32, #tpu.memory_space<hbm>> -> memref<8x1024xf32, #tpu.memory_space<hbm>>
      %dma_start3A_145 = arith.constant 0 : i32
      %dma_start3A_146 = tpu.memref_slice %arg3[%add3A_142, %dma_start3A_145] : memref<16384x1024xf32, #tpu.memory_space<hbm>> -> memref<8x1024xf32, #tpu.memory_space<hbm>>
      tpu.enqueue_dma source(%arg5 : memref<8x1024xf32, #tpu.memory_space<vmem>>) target(%dma_start3A_146 : memref<8x1024xf32, #tpu.memory_space<hbm>>) target_semaphore(%arg21 : memref<!tpu.dma_semaphore, #tpu.memory_space<semaphore_mem>>)
      %add3A_147 = arith.constant 2 : i32
      %add3A_148 = arith.addi %add3A_93, %add3A_147 : i32
      %mul3A_149 = arith.constant 8 : i32
      %mul3A_150 = arith.muli %add3A_148, %mul3A_149 : i32
      %add3A_151 = arith.addi %mul3A_2, %mul3A_150 : i32
      %dma_wait3A_152 = arith.constant 0 : i32
      %dma_wait3A_153 = tpu.memref_slice %arg2[%add3A_151, %dma_wait3A_152] : memref<16384x1024xf32, #tpu.memory_space<hbm>> -> memref<8x1024xf32, #tpu.memory_space<hbm>>
      %dma_wait3A_154 = arith.constant 0 : i32
      %dma_wait3A_155 = tpu.memref_slice %arg2[%add3A_151, %dma_wait3A_154] : memref<16384x1024xf32, #tpu.memory_space<hbm>> -> memref<8x1024xf32, #tpu.memory_space<hbm>>
      tpu.wait_dma2 semaphore(%arg14 : memref<!tpu.dma_semaphore, #tpu.memory_space<semaphore_mem>>) src(%dma_wait3A_155 : memref<8x1024xf32, #tpu.memory_space<hbm>>) dst(%arg6 : memref<8x1024xf32, #tpu.memory_space<vmem>>)
      %add3A_156 = arith.constant 6 : i32
      %add3A_157 = arith.addi %add3A_148, %add3A_156 : i32
      %lt3A_158 = arith.constant 64 : i32
      %lt3A_159 = arith.cmpi slt, %add3A_157, %lt3A_158 : i32
      %convert_element_type3A_160 = arith.extui %lt3A_159 : i1 to i32
      %cond3A_161 = arith.constant 0 : i32
      %cond3A_162 = arith.cmpi ne, %convert_element_type3A_160, %cond3A_161 : i32
      scf.if %cond3A_162 {
        %ge3A = arith.constant 8 : i32
        %ge3A_315 = arith.cmpi sge, %add3A_157, %ge3A : i32
        %convert_element_type3A_316 = arith.extui %ge3A_315 : i1 to i32
        %cond3A_317 = arith.constant 0 : i32
        %cond3A_318 = arith.cmpi ne, %convert_element_type3A_316, %cond3A_317 : i32
        scf.if %cond3A_318 {
          %sub3A = arith.constant 8 : i32
          %sub3A_326 = arith.subi %add3A_157, %sub3A : i32
          %mul3A_327 = arith.constant 8 : i32
          %mul3A_328 = arith.muli %sub3A_326, %mul3A_327 : i32
          %add3A_329 = arith.addi %mul3A_2, %mul3A_328 : i32
          %dma_wait3A_330 = arith.constant 0 : i32
          %dma_wait3A_331 = tpu.memref_slice %arg3[%add3A_329, %dma_wait3A_330] : memref<16384x1024xf32, #tpu.memory_space<hbm>> -> memref<8x1024xf32, #tpu.memory_space<hbm>>
          %dma_wait3A_332 = arith.constant 0 : i32
          %dma_wait3A_333 = tpu.memref_slice %arg3[%add3A_329, %dma_wait3A_332] : memref<16384x1024xf32, #tpu.memory_space<hbm>> -> memref<8x1024xf32, #tpu.memory_space<hbm>>
          tpu.wait_dma2 semaphore(%arg20 : memref<!tpu.dma_semaphore, #tpu.memory_space<semaphore_mem>>) src(%arg4 : memref<8x1024xf32, #tpu.memory_space<vmem>>) dst(%dma_wait3A_333 : memref<8x1024xf32, #tpu.memory_space<hbm>>)
        } else {
        }
        %mul3A_319 = arith.constant 8 : i32
        %mul3A_320 = arith.muli %add3A_157, %mul3A_319 : i32
        %add3A_321 = arith.addi %mul3A_2, %mul3A_320 : i32
        %dma_start3A_322 = arith.constant 0 : i32
        %dma_start3A_323 = tpu.memref_slice %arg2[%add3A_321, %dma_start3A_322] : memref<16384x1024xf32, #tpu.memory_space<hbm>> -> memref<8x1024xf32, #tpu.memory_space<hbm>>
        %dma_start3A_324 = arith.constant 0 : i32
        %dma_start3A_325 = tpu.memref_slice %arg2[%add3A_321, %dma_start3A_324] : memref<16384x1024xf32, #tpu.memory_space<hbm>> -> memref<8x1024xf32, #tpu.memory_space<hbm>>
        tpu.enqueue_dma source(%dma_start3A_325 : memref<8x1024xf32, #tpu.memory_space<hbm>>) target(%arg4 : memref<8x1024xf32, #tpu.memory_space<vmem>>) target_semaphore(%arg12 : memref<!tpu.dma_semaphore, #tpu.memory_space<semaphore_mem>>)
      } else {
      }
      %scan3A_163 = arith.constant 0 : i32
      %scan3A_164 = arith.constant 8 : i32
      %scan3A_165 = arith.addi %scan3A_163, %scan3A_164 : i32
      %scan3A_166 = arith.constant 1 : i32
      scf.for %scan3A_315 = %scan3A_163 to %scan3A_165 step %scan3A_166  : i32 {
        %mul3A_316 = arith.constant 1 : i32
        %mul3A_317 = arith.muli %scan3A_315, %mul3A_316 : i32
        %add3A_318 = arith.constant 0 : i32
        %add3A_319 = arith.addi %add3A_318, %mul3A_317 : i32
        %parallel_loop3A = arith.constant 0 : i32
        %parallel_loop3A_320 = arith.constant 64 : i32
        %parallel_loop3A_321 = arith.constant 1 : i32
        scf.for %parallel_loop3A_322 = %parallel_loop3A to %parallel_loop3A_320 step %parallel_loop3A_321  : i32 {
          %parallel_loop3A_323 = arith.constant 16 : i32
          %parallel_loop3A_324 = arith.muli %parallel_loop3A_322, %parallel_loop3A_323 : i32
          %parallel_loop3A_325 = arith.index_cast %add3A_319 : i32 to index
          %parallel_loop3A_326 = arith.index_cast %parallel_loop3A_324 : i32 to index
          %parallel_loop3A_327 = tpu.vector_load %arg6[%parallel_loop3A_325, %parallel_loop3A_326] {strides = array<i32>} : memref<8x1024xf32, #tpu.memory_space<vmem>>, vector<1x16xf32>,
          %parallel_loop3A_328 = vector.shape_cast %parallel_loop3A_327 : vector<1x16xf32> to vector<16xf32>
          %parallel_loop3A_329 = arith.addf %parallel_loop3A_328, %parallel_loop3A_328 : vector<16xf32>
          %parallel_loop3A_330 = arith.constant 1.000000e+00 : f32
          %parallel_loop3A_331 = vector.broadcast %parallel_loop3A_330 : f32 to vector<16xf32>
          %parallel_loop3A_332 = arith.subf %parallel_loop3A_329, %parallel_loop3A_331 : vector<16xf32>
          %parallel_loop3A_333 = arith.constant 16 : i32
          %parallel_loop3A_334 = arith.muli %parallel_loop3A_322, %parallel_loop3A_333 : i32
          %parallel_loop3A_335 = arith.index_cast %add3A_319 : i32 to index
          %parallel_loop3A_336 = arith.index_cast %parallel_loop3A_334 : i32 to index
          %parallel_loop3A_337 = tpu.vector_load %arg6[%parallel_loop3A_335, %parallel_loop3A_336] {strides = array<i32>} : memref<8x1024xf32, #tpu.memory_space<vmem>>, vector<1x16xf32>,
          %parallel_loop3A_338 = vector.shape_cast %parallel_loop3A_337 : vector<1x16xf32> to vector<16xf32>
          %parallel_loop3A_339 = vector.shape_cast %parallel_loop3A_332 : vector<16xf32> to vector<1x16xf32>
          tpu.vector_store %arg6[%parallel_loop3A_335, %parallel_loop3A_336], %parallel_loop3A_339 {strides = array<i32>} : memref<8x1024xf32, #tpu.memory_space<vmem>>, vector<1x16xf32>,
        } {sc.loop_unroll_factor = 8 : i64, sc.parallel_access}
      }
      %scan3A_167 = arith.constant 8 : i32
      %mul3A_168 = arith.constant 8 : i32
      %mul3A_169 = arith.muli %add3A_148, %mul3A_168 : i32
      %add3A_170 = arith.addi %mul3A_2, %mul3A_169 : i32
      %dma_start3A_171 = arith.constant 0 : i32
      %dma_start3A_172 = tpu.memref_slice %arg3[%add3A_170, %dma_start3A_171] : memref<16384x1024xf32, #tpu.memory_space<hbm>> -> memref<8x1024xf32, #tpu.memory_space<hbm>>
      %dma_start3A_173 = arith.constant 0 : i32
      %dma_start3A_174 = tpu.memref_slice %arg3[%add3A_170, %dma_start3A_173] : memref<16384x1024xf32, #tpu.memory_space<hbm>> -> memref<8x1024xf32, #tpu.memory_space<hbm>>
      tpu.enqueue_dma source(%arg6 : memref<8x1024xf32, #tpu.memory_space<vmem>>) target(%dma_start3A_174 : memref<8x1024xf32, #tpu.memory_space<hbm>>) target_semaphore(%arg22 : memref<!tpu.dma_semaphore, #tpu.memory_space<semaphore_mem>>)
      %add3A_175 = arith.constant 3 : i32
      %add3A_176 = arith.addi %add3A_93, %add3A_175 : i32
      %mul3A_177 = arith.constant 8 : i32
      %mul3A_178 = arith.muli %add3A_176, %mul3A_177 : i32
      %add3A_179 = arith.addi %mul3A_2, %mul3A_178 : i32
      %dma_wait3A_180 = arith.constant 0 : i32
      %dma_wait3A_181 = tpu.memref_slice %arg2[%add3A_179, %dma_wait3A_180] : memref<16384x1024xf32, #tpu.memory_space<hbm>> -> memref<8x1024xf32, #tpu.memory_space<hbm>>
      %dma_wait3A_182 = arith.constant 0 : i32
      %dma_wait3A_183 = tpu.memref_slice %arg2[%add3A_179, %dma_wait3A_182] : memref<16384x1024xf32, #tpu.memory_space<hbm>> -> memref<8x1024xf32, #tpu.memory_space<hbm>>
      tpu.wait_dma2 semaphore(%arg15 : memref<!tpu.dma_semaphore, #tpu.memory_space<semaphore_mem>>) src(%dma_wait3A_183 : memref<8x1024xf32, #tpu.memory_space<hbm>>) dst(%arg7 : memref<8x1024xf32, #tpu.memory_space<vmem>>)
      %add3A_184 = arith.constant 6 : i32
      %add3A_185 = arith.addi %add3A_176, %add3A_184 : i32
      %lt3A_186 = arith.constant 64 : i32
      %lt3A_187 = arith.cmpi slt, %add3A_185, %lt3A_186 : i32
      %convert_element_type3A_188 = arith.extui %lt3A_187 : i1 to i32
      %cond3A_189 = arith.constant 0 : i32
      %cond3A_190 = arith.cmpi ne, %convert_element_type3A_188, %cond3A_189 : i32
      scf.if %cond3A_190 {
        %ge3A = arith.constant 8 : i32
        %ge3A_315 = arith.cmpi sge, %add3A_185, %ge3A : i32
        %convert_element_type3A_316 = arith.extui %ge3A_315 : i1 to i32
        %cond3A_317 = arith.constant 0 : i32
        %cond3A_318 = arith.cmpi ne, %convert_element_type3A_316, %cond3A_317 : i32
        scf.if %cond3A_318 {
          %sub3A = arith.constant 8 : i32
          %sub3A_326 = arith.subi %add3A_185, %sub3A : i32
          %mul3A_327 = arith.constant 8 : i32
          %mul3A_328 = arith.muli %sub3A_326, %mul3A_327 : i32
          %add3A_329 = arith.addi %mul3A_2, %mul3A_328 : i32
          %dma_wait3A_330 = arith.constant 0 : i32
          %dma_wait3A_331 = tpu.memref_slice %arg3[%add3A_329, %dma_wait3A_330] : memref<16384x1024xf32, #tpu.memory_space<hbm>> -> memref<8x1024xf32, #tpu.memory_space<hbm>>
          %dma_wait3A_332 = arith.constant 0 : i32
          %dma_wait3A_333 = tpu.memref_slice %arg3[%add3A_329, %dma_wait3A_332] : memref<16384x1024xf32, #tpu.memory_space<hbm>> -> memref<8x1024xf32, #tpu.memory_space<hbm>>
          tpu.wait_dma2 semaphore(%arg21 : memref<!tpu.dma_semaphore, #tpu.memory_space<semaphore_mem>>) src(%arg5 : memref<8x1024xf32, #tpu.memory_space<vmem>>) dst(%dma_wait3A_333 : memref<8x1024xf32, #tpu.memory_space<hbm>>)
        } else {
        }
        %mul3A_319 = arith.constant 8 : i32
        %mul3A_320 = arith.muli %add3A_185, %mul3A_319 : i32
        %add3A_321 = arith.addi %mul3A_2, %mul3A_320 : i32
        %dma_start3A_322 = arith.constant 0 : i32
        %dma_start3A_323 = tpu.memref_slice %arg2[%add3A_321, %dma_start3A_322] : memref<16384x1024xf32, #tpu.memory_space<hbm>> -> memref<8x1024xf32, #tpu.memory_space<hbm>>
        %dma_start3A_324 = arith.constant 0 : i32
        %dma_start3A_325 = tpu.memref_slice %arg2[%add3A_321, %dma_start3A_324] : memref<16384x1024xf32, #tpu.memory_space<hbm>> -> memref<8x1024xf32, #tpu.memory_space<hbm>>
        tpu.enqueue_dma source(%dma_start3A_325 : memref<8x1024xf32, #tpu.memory_space<hbm>>) target(%arg5 : memref<8x1024xf32, #tpu.memory_space<vmem>>) target_semaphore(%arg13 : memref<!tpu.dma_semaphore, #tpu.memory_space<semaphore_mem>>)
      } else {
      }
      %scan3A_191 = arith.constant 0 : i32
      %scan3A_192 = arith.constant 8 : i32
      %scan3A_193 = arith.addi %scan3A_191, %scan3A_192 : i32
      %scan3A_194 = arith.constant 1 : i32
      scf.for %scan3A_315 = %scan3A_191 to %scan3A_193 step %scan3A_194  : i32 {
        %mul3A_316 = arith.constant 1 : i32
        %mul3A_317 = arith.muli %scan3A_315, %mul3A_316 : i32
        %add3A_318 = arith.constant 0 : i32
        %add3A_319 = arith.addi %add3A_318, %mul3A_317 : i32
        %parallel_loop3A = arith.constant 0 : i32
        %parallel_loop3A_320 = arith.constant 64 : i32
        %parallel_loop3A_321 = arith.constant 1 : i32
        scf.for %parallel_loop3A_322 = %parallel_loop3A to %parallel_loop3A_320 step %parallel_loop3A_321  : i32 {
          %parallel_loop3A_323 = arith.constant 16 : i32
          %parallel_loop3A_324 = arith.muli %parallel_loop3A_322, %parallel_loop3A_323 : i32
          %parallel_loop3A_325 = arith.index_cast %add3A_319 : i32 to index
          %parallel_loop3A_326 = arith.index_cast %parallel_loop3A_324 : i32 to index
          %parallel_loop3A_327 = tpu.vector_load %arg7[%parallel_loop3A_325, %parallel_loop3A_326] {strides = array<i32>} : memref<8x1024xf32, #tpu.memory_space<vmem>>, vector<1x16xf32>,
          %parallel_loop3A_328 = vector.shape_cast %parallel_loop3A_327 : vector<1x16xf32> to vector<16xf32>
          %parallel_loop3A_329 = arith.addf %parallel_loop3A_328, %parallel_loop3A_328 : vector<16xf32>
          %parallel_loop3A_330 = arith.constant 1.000000e+00 : f32
          %parallel_loop3A_331 = vector.broadcast %parallel_loop3A_330 : f32 to vector<16xf32>
          %parallel_loop3A_332 = arith.subf %parallel_loop3A_329, %parallel_loop3A_331 : vector<16xf32>
          %parallel_loop3A_333 = arith.constant 16 : i32
          %parallel_loop3A_334 = arith.muli %parallel_loop3A_322, %parallel_loop3A_333 : i32
          %parallel_loop3A_335 = arith.index_cast %add3A_319 : i32 to index
          %parallel_loop3A_336 = arith.index_cast %parallel_loop3A_334 : i32 to index
          %parallel_loop3A_337 = tpu.vector_load %arg7[%parallel_loop3A_335, %parallel_loop3A_336] {strides = array<i32>} : memref<8x1024xf32, #tpu.memory_space<vmem>>, vector<1x16xf32>,
          %parallel_loop3A_338 = vector.shape_cast %parallel_loop3A_337 : vector<1x16xf32> to vector<16xf32>
          %parallel_loop3A_339 = vector.shape_cast %parallel_loop3A_332 : vector<16xf32> to vector<1x16xf32>
          tpu.vector_store %arg7[%parallel_loop3A_335, %parallel_loop3A_336], %parallel_loop3A_339 {strides = array<i32>} : memref<8x1024xf32, #tpu.memory_space<vmem>>, vector<1x16xf32>,
        } {sc.loop_unroll_factor = 8 : i64, sc.parallel_access}
      }
      %scan3A_195 = arith.constant 8 : i32
      %mul3A_196 = arith.constant 8 : i32
      %mul3A_197 = arith.muli %add3A_176, %mul3A_196 : i32
      %add3A_198 = arith.addi %mul3A_2, %mul3A_197 : i32
      %dma_start3A_199 = arith.constant 0 : i32
      %dma_start3A_200 = tpu.memref_slice %arg3[%add3A_198, %dma_start3A_199] : memref<16384x1024xf32, #tpu.memory_space<hbm>> -> memref<8x1024xf32, #tpu.memory_space<hbm>>
      %dma_start3A_201 = arith.constant 0 : i32
      %dma_start3A_202 = tpu.memref_slice %arg3[%add3A_198, %dma_start3A_201] : memref<16384x1024xf32, #tpu.memory_space<hbm>> -> memref<8x1024xf32, #tpu.memory_space<hbm>>
      tpu.enqueue_dma source(%arg7 : memref<8x1024xf32, #tpu.memory_space<vmem>>) target(%dma_start3A_202 : memref<8x1024xf32, #tpu.memory_space<hbm>>) target_semaphore(%arg23 : memref<!tpu.dma_semaphore, #tpu.memory_space<semaphore_mem>>)
      %add3A_203 = arith.constant 4 : i32
      %add3A_204 = arith.addi %add3A_93, %add3A_203 : i32
      %mul3A_205 = arith.constant 8 : i32
      %mul3A_206 = arith.muli %add3A_204, %mul3A_205 : i32
      %add3A_207 = arith.addi %mul3A_2, %mul3A_206 : i32
      %dma_wait3A_208 = arith.constant 0 : i32
      %dma_wait3A_209 = tpu.memref_slice %arg2[%add3A_207, %dma_wait3A_208] : memref<16384x1024xf32, #tpu.memory_space<hbm>> -> memref<8x1024xf32, #tpu.memory_space<hbm>>
      %dma_wait3A_210 = arith.constant 0 : i32
      %dma_wait3A_211 = tpu.memref_slice %arg2[%add3A_207, %dma_wait3A_210] : memref<16384x1024xf32, #tpu.memory_space<hbm>> -> memref<8x1024xf32, #tpu.memory_space<hbm>>
      tpu.wait_dma2 semaphore(%arg16 : memref<!tpu.dma_semaphore, #tpu.memory_space<semaphore_mem>>) src(%dma_wait3A_211 : memref<8x1024xf32, #tpu.memory_space<hbm>>) dst(%arg8 : memref<8x1024xf32, #tpu.memory_space<vmem>>)
      %add3A_212 = arith.constant 6 : i32
      %add3A_213 = arith.addi %add3A_204, %add3A_212 : i32
      %lt3A_214 = arith.constant 64 : i32
      %lt3A_215 = arith.cmpi slt, %add3A_213, %lt3A_214 : i32
      %convert_element_type3A_216 = arith.extui %lt3A_215 : i1 to i32
      %cond3A_217 = arith.constant 0 : i32
      %cond3A_218 = arith.cmpi ne, %convert_element_type3A_216, %cond3A_217 : i32
      scf.if %cond3A_218 {
        %ge3A = arith.constant 8 : i32
        %ge3A_315 = arith.cmpi sge, %add3A_213, %ge3A : i32
        %convert_element_type3A_316 = arith.extui %ge3A_315 : i1 to i32
        %cond3A_317 = arith.constant 0 : i32
        %cond3A_318 = arith.cmpi ne, %convert_element_type3A_316, %cond3A_317 : i32
        scf.if %cond3A_318 {
          %sub3A = arith.constant 8 : i32
          %sub3A_326 = arith.subi %add3A_213, %sub3A : i32
          %mul3A_327 = arith.constant 8 : i32
          %mul3A_328 = arith.muli %sub3A_326, %mul3A_327 : i32
          %add3A_329 = arith.addi %mul3A_2, %mul3A_328 : i32
          %dma_wait3A_330 = arith.constant 0 : i32
          %dma_wait3A_331 = tpu.memref_slice %arg3[%add3A_329, %dma_wait3A_330] : memref<16384x1024xf32, #tpu.memory_space<hbm>> -> memref<8x1024xf32, #tpu.memory_space<hbm>>
          %dma_wait3A_332 = arith.constant 0 : i32
          %dma_wait3A_333 = tpu.memref_slice %arg3[%add3A_329, %dma_wait3A_332] : memref<16384x1024xf32, #tpu.memory_space<hbm>> -> memref<8x1024xf32, #tpu.memory_space<hbm>>
          tpu.wait_dma2 semaphore(%arg22 : memref<!tpu.dma_semaphore, #tpu.memory_space<semaphore_mem>>) src(%arg6 : memref<8x1024xf32, #tpu.memory_space<vmem>>) dst(%dma_wait3A_333 : memref<8x1024xf32, #tpu.memory_space<hbm>>)
        } else {
        }
        %mul3A_319 = arith.constant 8 : i32
        %mul3A_320 = arith.muli %add3A_213, %mul3A_319 : i32
        %add3A_321 = arith.addi %mul3A_2, %mul3A_320 : i32
        %dma_start3A_322 = arith.constant 0 : i32
        %dma_start3A_323 = tpu.memref_slice %arg2[%add3A_321, %dma_start3A_322] : memref<16384x1024xf32, #tpu.memory_space<hbm>> -> memref<8x1024xf32, #tpu.memory_space<hbm>>
        %dma_start3A_324 = arith.constant 0 : i32
        %dma_start3A_325 = tpu.memref_slice %arg2[%add3A_321, %dma_start3A_324] : memref<16384x1024xf32, #tpu.memory_space<hbm>> -> memref<8x1024xf32, #tpu.memory_space<hbm>>
        tpu.enqueue_dma source(%dma_start3A_325 : memref<8x1024xf32, #tpu.memory_space<hbm>>) target(%arg6 : memref<8x1024xf32, #tpu.memory_space<vmem>>) target_semaphore(%arg14 : memref<!tpu.dma_semaphore, #tpu.memory_space<semaphore_mem>>)
      } else {
      }
      %scan3A_219 = arith.constant 0 : i32
      %scan3A_220 = arith.constant 8 : i32
      %scan3A_221 = arith.addi %scan3A_219, %scan3A_220 : i32
      %scan3A_222 = arith.constant 1 : i32
      scf.for %scan3A_315 = %scan3A_219 to %scan3A_221 step %scan3A_222  : i32 {
        %mul3A_316 = arith.constant 1 : i32
        %mul3A_317 = arith.muli %scan3A_315, %mul3A_316 : i32
        %add3A_318 = arith.constant 0 : i32
        %add3A_319 = arith.addi %add3A_318, %mul3A_317 : i32
        %parallel_loop3A = arith.constant 0 : i32
        %parallel_loop3A_320 = arith.constant 64 : i32
        %parallel_loop3A_321 = arith.constant 1 : i32
        scf.for %parallel_loop3A_322 = %parallel_loop3A to %parallel_loop3A_320 step %parallel_loop3A_321  : i32 {
          %parallel_loop3A_323 = arith.constant 16 : i32
          %parallel_loop3A_324 = arith.muli %parallel_loop3A_322, %parallel_loop3A_323 : i32
          %parallel_loop3A_325 = arith.index_cast %add3A_319 : i32 to index
          %parallel_loop3A_326 = arith.index_cast %parallel_loop3A_324 : i32 to index
          %parallel_loop3A_327 = tpu.vector_load %arg8[%parallel_loop3A_325, %parallel_loop3A_326] {strides = array<i32>} : memref<8x1024xf32, #tpu.memory_space<vmem>>, vector<1x16xf32>,
          %parallel_loop3A_328 = vector.shape_cast %parallel_loop3A_327 : vector<1x16xf32> to vector<16xf32>
          %parallel_loop3A_329 = arith.addf %parallel_loop3A_328, %parallel_loop3A_328 : vector<16xf32>
          %parallel_loop3A_330 = arith.constant 1.000000e+00 : f32
          %parallel_loop3A_331 = vector.broadcast %parallel_loop3A_330 : f32 to vector<16xf32>
          %parallel_loop3A_332 = arith.subf %parallel_loop3A_329, %parallel_loop3A_331 : vector<16xf32>
          %parallel_loop3A_333 = arith.constant 16 : i32
          %parallel_loop3A_334 = arith.muli %parallel_loop3A_322, %parallel_loop3A_333 : i32
          %parallel_loop3A_335 = arith.index_cast %add3A_319 : i32 to index
          %parallel_loop3A_336 = arith.index_cast %parallel_loop3A_334 : i32 to index
          %parallel_loop3A_337 = tpu.vector_load %arg8[%parallel_loop3A_335, %parallel_loop3A_336] {strides = array<i32>} : memref<8x1024xf32, #tpu.memory_space<vmem>>, vector<1x16xf32>,
          %parallel_loop3A_338 = vector.shape_cast %parallel_loop3A_337 : vector<1x16xf32> to vector<16xf32>
          %parallel_loop3A_339 = vector.shape_cast %parallel_loop3A_332 : vector<16xf32> to vector<1x16xf32>
          tpu.vector_store %arg8[%parallel_loop3A_335, %parallel_loop3A_336], %parallel_loop3A_339 {strides = array<i32>} : memref<8x1024xf32, #tpu.memory_space<vmem>>, vector<1x16xf32>,
        } {sc.loop_unroll_factor = 8 : i64, sc.parallel_access}
      }
      %scan3A_223 = arith.constant 8 : i32
      %mul3A_224 = arith.constant 8 : i32
      %mul3A_225 = arith.muli %add3A_204, %mul3A_224 : i32
      %add3A_226 = arith.addi %mul3A_2, %mul3A_225 : i32
      %dma_start3A_227 = arith.constant 0 : i32
      %dma_start3A_228 = tpu.memref_slice %arg3[%add3A_226, %dma_start3A_227] : memref<16384x1024xf32, #tpu.memory_space<hbm>> -> memref<8x1024xf32, #tpu.memory_space<hbm>>
      %dma_start3A_229 = arith.constant 0 : i32
      %dma_start3A_230 = tpu.memref_slice %arg3[%add3A_226, %dma_start3A_229] : memref<16384x1024xf32, #tpu.memory_space<hbm>> -> memref<8x1024xf32, #tpu.memory_space<hbm>>
      tpu.enqueue_dma source(%arg8 : memref<8x1024xf32, #tpu.memory_space<vmem>>) target(%dma_start3A_230 : memref<8x1024xf32, #tpu.memory_space<hbm>>) target_semaphore(%arg24 : memref<!tpu.dma_semaphore, #tpu.memory_space<semaphore_mem>>)
      %add3A_231 = arith.constant 5 : i32
      %add3A_232 = arith.addi %add3A_93, %add3A_231 : i32
      %mul3A_233 = arith.constant 8 : i32
      %mul3A_234 = arith.muli %add3A_232, %mul3A_233 : i32
      %add3A_235 = arith.addi %mul3A_2, %mul3A_234 : i32
      %dma_wait3A_236 = arith.constant 0 : i32
      %dma_wait3A_237 = tpu.memref_slice %arg2[%add3A_235, %dma_wait3A_236] : memref<16384x1024xf32, #tpu.memory_space<hbm>> -> memref<8x1024xf32, #tpu.memory_space<hbm>>
      %dma_wait3A_238 = arith.constant 0 : i32
      %dma_wait3A_239 = tpu.memref_slice %arg2[%add3A_235, %dma_wait3A_238] : memref<16384x1024xf32, #tpu.memory_space<hbm>> -> memref<8x1024xf32, #tpu.memory_space<hbm>>
      tpu.wait_dma2 semaphore(%arg17 : memref<!tpu.dma_semaphore, #tpu.memory_space<semaphore_mem>>) src(%dma_wait3A_239 : memref<8x1024xf32, #tpu.memory_space<hbm>>) dst(%arg9 : memref<8x1024xf32, #tpu.memory_space<vmem>>)
      %add3A_240 = arith.constant 6 : i32
      %add3A_241 = arith.addi %add3A_232, %add3A_240 : i32
      %lt3A_242 = arith.constant 64 : i32
      %lt3A_243 = arith.cmpi slt, %add3A_241, %lt3A_242 : i32
      %convert_element_type3A_244 = arith.extui %lt3A_243 : i1 to i32
      %cond3A_245 = arith.constant 0 : i32
      %cond3A_246 = arith.cmpi ne, %convert_element_type3A_244, %cond3A_245 : i32
      scf.if %cond3A_246 {
        %ge3A = arith.constant 8 : i32
        %ge3A_315 = arith.cmpi sge, %add3A_241, %ge3A : i32
        %convert_element_type3A_316 = arith.extui %ge3A_315 : i1 to i32
        %cond3A_317 = arith.constant 0 : i32
        %cond3A_318 = arith.cmpi ne, %convert_element_type3A_316, %cond3A_317 : i32
        scf.if %cond3A_318 {
          %sub3A = arith.constant 8 : i32
          %sub3A_326 = arith.subi %add3A_241, %sub3A : i32
          %mul3A_327 = arith.constant 8 : i32
          %mul3A_328 = arith.muli %sub3A_326, %mul3A_327 : i32
          %add3A_329 = arith.addi %mul3A_2, %mul3A_328 : i32
          %dma_wait3A_330 = arith.constant 0 : i32
          %dma_wait3A_331 = tpu.memref_slice %arg3[%add3A_329, %dma_wait3A_330] : memref<16384x1024xf32, #tpu.memory_space<hbm>> -> memref<8x1024xf32, #tpu.memory_space<hbm>>
          %dma_wait3A_332 = arith.constant 0 : i32
          %dma_wait3A_333 = tpu.memref_slice %arg3[%add3A_329, %dma_wait3A_332] : memref<16384x1024xf32, #tpu.memory_space<hbm>> -> memref<8x1024xf32, #tpu.memory_space<hbm>>
          tpu.wait_dma2 semaphore(%arg23 : memref<!tpu.dma_semaphore, #tpu.memory_space<semaphore_mem>>) src(%arg7 : memref<8x1024xf32, #tpu.memory_space<vmem>>) dst(%dma_wait3A_333 : memref<8x1024xf32, #tpu.memory_space<hbm>>)
        } else {
        }
        %mul3A_319 = arith.constant 8 : i32
        %mul3A_320 = arith.muli %add3A_241, %mul3A_319 : i32
        %add3A_321 = arith.addi %mul3A_2, %mul3A_320 : i32
        %dma_start3A_322 = arith.constant 0 : i32
        %dma_start3A_323 = tpu.memref_slice %arg2[%add3A_321, %dma_start3A_322] : memref<16384x1024xf32, #tpu.memory_space<hbm>> -> memref<8x1024xf32, #tpu.memory_space<hbm>>
        %dma_start3A_324 = arith.constant 0 : i32
        %dma_start3A_325 = tpu.memref_slice %arg2[%add3A_321, %dma_start3A_324] : memref<16384x1024xf32, #tpu.memory_space<hbm>> -> memref<8x1024xf32, #tpu.memory_space<hbm>>
        tpu.enqueue_dma source(%dma_start3A_325 : memref<8x1024xf32, #tpu.memory_space<hbm>>) target(%arg7 : memref<8x1024xf32, #tpu.memory_space<vmem>>) target_semaphore(%arg15 : memref<!tpu.dma_semaphore, #tpu.memory_space<semaphore_mem>>)
      } else {
      }
      %scan3A_247 = arith.constant 0 : i32
      %scan3A_248 = arith.constant 8 : i32
      %scan3A_249 = arith.addi %scan3A_247, %scan3A_248 : i32
      %scan3A_250 = arith.constant 1 : i32
      scf.for %scan3A_315 = %scan3A_247 to %scan3A_249 step %scan3A_250  : i32 {
        %mul3A_316 = arith.constant 1 : i32
        %mul3A_317 = arith.muli %scan3A_315, %mul3A_316 : i32
        %add3A_318 = arith.constant 0 : i32
        %add3A_319 = arith.addi %add3A_318, %mul3A_317 : i32
        %parallel_loop3A = arith.constant 0 : i32
        %parallel_loop3A_320 = arith.constant 64 : i32
        %parallel_loop3A_321 = arith.constant 1 : i32
        scf.for %parallel_loop3A_322 = %parallel_loop3A to %parallel_loop3A_320 step %parallel_loop3A_321  : i32 {
          %parallel_loop3A_323 = arith.constant 16 : i32
          %parallel_loop3A_324 = arith.muli %parallel_loop3A_322, %parallel_loop3A_323 : i32
          %parallel_loop3A_325 = arith.index_cast %add3A_319 : i32 to index
          %parallel_loop3A_326 = arith.index_cast %parallel_loop3A_324 : i32 to index
          %parallel_loop3A_327 = tpu.vector_load %arg9[%parallel_loop3A_325, %parallel_loop3A_326] {strides = array<i32>} : memref<8x1024xf32, #tpu.memory_space<vmem>>, vector<1x16xf32>,
          %parallel_loop3A_328 = vector.shape_cast %parallel_loop3A_327 : vector<1x16xf32> to vector<16xf32>
          %parallel_loop3A_329 = arith.addf %parallel_loop3A_328, %parallel_loop3A_328 : vector<16xf32>
          %parallel_loop3A_330 = arith.constant 1.000000e+00 : f32
          %parallel_loop3A_331 = vector.broadcast %parallel_loop3A_330 : f32 to vector<16xf32>
          %parallel_loop3A_332 = arith.subf %parallel_loop3A_329, %parallel_loop3A_331 : vector<16xf32>
          %parallel_loop3A_333 = arith.constant 16 : i32
          %parallel_loop3A_334 = arith.muli %parallel_loop3A_322, %parallel_loop3A_333 : i32
          %parallel_loop3A_335 = arith.index_cast %add3A_319 : i32 to index
          %parallel_loop3A_336 = arith.index_cast %parallel_loop3A_334 : i32 to index
          %parallel_loop3A_337 = tpu.vector_load %arg9[%parallel_loop3A_335, %parallel_loop3A_336] {strides = array<i32>} : memref<8x1024xf32, #tpu.memory_space<vmem>>, vector<1x16xf32>,
          %parallel_loop3A_338 = vector.shape_cast %parallel_loop3A_337 : vector<1x16xf32> to vector<16xf32>
          %parallel_loop3A_339 = vector.shape_cast %parallel_loop3A_332 : vector<16xf32> to vector<1x16xf32>
          tpu.vector_store %arg9[%parallel_loop3A_335, %parallel_loop3A_336], %parallel_loop3A_339 {strides = array<i32>} : memref<8x1024xf32, #tpu.memory_space<vmem>>, vector<1x16xf32>,
        } {sc.loop_unroll_factor = 8 : i64, sc.parallel_access}
      }
      %scan3A_251 = arith.constant 8 : i32
      %mul3A_252 = arith.constant 8 : i32
      %mul3A_253 = arith.muli %add3A_232, %mul3A_252 : i32
      %add3A_254 = arith.addi %mul3A_2, %mul3A_253 : i32
      %dma_start3A_255 = arith.constant 0 : i32
      %dma_start3A_256 = tpu.memref_slice %arg3[%add3A_254, %dma_start3A_255] : memref<16384x1024xf32, #tpu.memory_space<hbm>> -> memref<8x1024xf32, #tpu.memory_space<hbm>>
      %dma_start3A_257 = arith.constant 0 : i32
      %dma_start3A_258 = tpu.memref_slice %arg3[%add3A_254, %dma_start3A_257] : memref<16384x1024xf32, #tpu.memory_space<hbm>> -> memref<8x1024xf32, #tpu.memory_space<hbm>>
      tpu.enqueue_dma source(%arg9 : memref<8x1024xf32, #tpu.memory_space<vmem>>) target(%dma_start3A_258 : memref<8x1024xf32, #tpu.memory_space<hbm>>) target_semaphore(%arg25 : memref<!tpu.dma_semaphore, #tpu.memory_space<semaphore_mem>>)
      %add3A_259 = arith.constant 6 : i32
      %add3A_260 = arith.addi %add3A_93, %add3A_259 : i32
      %mul3A_261 = arith.constant 8 : i32
      %mul3A_262 = arith.muli %add3A_260, %mul3A_261 : i32
      %add3A_263 = arith.addi %mul3A_2, %mul3A_262 : i32
      %dma_wait3A_264 = arith.constant 0 : i32
      %dma_wait3A_265 = tpu.memref_slice %arg2[%add3A_263, %dma_wait3A_264] : memref<16384x1024xf32, #tpu.memory_space<hbm>> -> memref<8x1024xf32, #tpu.memory_space<hbm>>
      %dma_wait3A_266 = arith.constant 0 : i32
      %dma_wait3A_267 = tpu.memref_slice %arg2[%add3A_263, %dma_wait3A_266] : memref<16384x1024xf32, #tpu.memory_space<hbm>> -> memref<8x1024xf32, #tpu.memory_space<hbm>>
      tpu.wait_dma2 semaphore(%arg18 : memref<!tpu.dma_semaphore, #tpu.memory_space<semaphore_mem>>) src(%dma_wait3A_267 : memref<8x1024xf32, #tpu.memory_space<hbm>>) dst(%arg10 : memref<8x1024xf32, #tpu.memory_space<vmem>>)
      %add3A_268 = arith.constant 6 : i32
      %add3A_269 = arith.addi %add3A_260, %add3A_268 : i32
      %lt3A_270 = arith.constant 64 : i32
      %lt3A_271 = arith.cmpi slt, %add3A_269, %lt3A_270 : i32
      %convert_element_type3A_272 = arith.extui %lt3A_271 : i1 to i32
      %cond3A_273 = arith.constant 0 : i32
      %cond3A_274 = arith.cmpi ne, %convert_element_type3A_272, %cond3A_273 : i32
      scf.if %cond3A_274 {
        %ge3A = arith.constant 8 : i32
        %ge3A_315 = arith.cmpi sge, %add3A_269, %ge3A : i32
        %convert_element_type3A_316 = arith.extui %ge3A_315 : i1 to i32
        %cond3A_317 = arith.constant 0 : i32
        %cond3A_318 = arith.cmpi ne, %convert_element_type3A_316, %cond3A_317 : i32
        scf.if %cond3A_318 {
          %sub3A = arith.constant 8 : i32
          %sub3A_326 = arith.subi %add3A_269, %sub3A : i32
          %mul3A_327 = arith.constant 8 : i32
          %mul3A_328 = arith.muli %sub3A_326, %mul3A_327 : i32
          %add3A_329 = arith.addi %mul3A_2, %mul3A_328 : i32
          %dma_wait3A_330 = arith.constant 0 : i32
          %dma_wait3A_331 = tpu.memref_slice %arg3[%add3A_329, %dma_wait3A_330] : memref<16384x1024xf32, #tpu.memory_space<hbm>> -> memref<8x1024xf32, #tpu.memory_space<hbm>>
          %dma_wait3A_332 = arith.constant 0 : i32
          %dma_wait3A_333 = tpu.memref_slice %arg3[%add3A_329, %dma_wait3A_332] : memref<16384x1024xf32, #tpu.memory_space<hbm>> -> memref<8x1024xf32, #tpu.memory_space<hbm>>
          tpu.wait_dma2 semaphore(%arg24 : memref<!tpu.dma_semaphore, #tpu.memory_space<semaphore_mem>>) src(%arg8 : memref<8x1024xf32, #tpu.memory_space<vmem>>) dst(%dma_wait3A_333 : memref<8x1024xf32, #tpu.memory_space<hbm>>)
        } else {
        }
        %mul3A_319 = arith.constant 8 : i32
        %mul3A_320 = arith.muli %add3A_269, %mul3A_319 : i32
        %add3A_321 = arith.addi %mul3A_2, %mul3A_320 : i32
        %dma_start3A_322 = arith.constant 0 : i32
        %dma_start3A_323 = tpu.memref_slice %arg2[%add3A_321, %dma_start3A_322] : memref<16384x1024xf32, #tpu.memory_space<hbm>> -> memref<8x1024xf32, #tpu.memory_space<hbm>>
        %dma_start3A_324 = arith.constant 0 : i32
        %dma_start3A_325 = tpu.memref_slice %arg2[%add3A_321, %dma_start3A_324] : memref<16384x1024xf32, #tpu.memory_space<hbm>> -> memref<8x1024xf32, #tpu.memory_space<hbm>>
        tpu.enqueue_dma source(%dma_start3A_325 : memref<8x1024xf32, #tpu.memory_space<hbm>>) target(%arg8 : memref<8x1024xf32, #tpu.memory_space<vmem>>) target_semaphore(%arg16 : memref<!tpu.dma_semaphore, #tpu.memory_space<semaphore_mem>>)
      } else {
      }
      %scan3A_275 = arith.constant 0 : i32
      %scan3A_276 = arith.constant 8 : i32
      %scan3A_277 = arith.addi %scan3A_275, %scan3A_276 : i32
      %scan3A_278 = arith.constant 1 : i32
      scf.for %scan3A_315 = %scan3A_275 to %scan3A_277 step %scan3A_278  : i32 {
        %mul3A_316 = arith.constant 1 : i32
        %mul3A_317 = arith.muli %scan3A_315, %mul3A_316 : i32
        %add3A_318 = arith.constant 0 : i32
        %add3A_319 = arith.addi %add3A_318, %mul3A_317 : i32
        %parallel_loop3A = arith.constant 0 : i32
        %parallel_loop3A_320 = arith.constant 64 : i32
        %parallel_loop3A_321 = arith.constant 1 : i32
        scf.for %parallel_loop3A_322 = %parallel_loop3A to %parallel_loop3A_320 step %parallel_loop3A_321  : i32 {
          %parallel_loop3A_323 = arith.constant 16 : i32
          %parallel_loop3A_324 = arith.muli %parallel_loop3A_322, %parallel_loop3A_323 : i32
          %parallel_loop3A_325 = arith.index_cast %add3A_319 : i32 to index
          %parallel_loop3A_326 = arith.index_cast %parallel_loop3A_324 : i32 to index
          %parallel_loop3A_327 = tpu.vector_load %arg10[%parallel_loop3A_325, %parallel_loop3A_326] {strides = array<i32>} : memref<8x1024xf32, #tpu.memory_space<vmem>>, vector<1x16xf32>,
          %parallel_loop3A_328 = vector.shape_cast %parallel_loop3A_327 : vector<1x16xf32> to vector<16xf32>
          %parallel_loop3A_329 = arith.addf %parallel_loop3A_328, %parallel_loop3A_328 : vector<16xf32>
          %parallel_loop3A_330 = arith.constant 1.000000e+00 : f32
          %parallel_loop3A_331 = vector.broadcast %parallel_loop3A_330 : f32 to vector<16xf32>
          %parallel_loop3A_332 = arith.subf %parallel_loop3A_329, %parallel_loop3A_331 : vector<16xf32>
          %parallel_loop3A_333 = arith.constant 16 : i32
          %parallel_loop3A_334 = arith.muli %parallel_loop3A_322, %parallel_loop3A_333 : i32
          %parallel_loop3A_335 = arith.index_cast %add3A_319 : i32 to index
          %parallel_loop3A_336 = arith.index_cast %parallel_loop3A_334 : i32 to index
          %parallel_loop3A_337 = tpu.vector_load %arg10[%parallel_loop3A_335, %parallel_loop3A_336] {strides = array<i32>} : memref<8x1024xf32, #tpu.memory_space<vmem>>, vector<1x16xf32>,
          %parallel_loop3A_338 = vector.shape_cast %parallel_loop3A_337 : vector<1x16xf32> to vector<16xf32>
          %parallel_loop3A_339 = vector.shape_cast %parallel_loop3A_332 : vector<16xf32> to vector<1x16xf32>
          tpu.vector_store %arg10[%parallel_loop3A_335, %parallel_loop3A_336], %parallel_loop3A_339 {strides = array<i32>} : memref<8x1024xf32, #tpu.memory_space<vmem>>, vector<1x16xf32>,
        } {sc.loop_unroll_factor = 8 : i64, sc.parallel_access}
      }
      %scan3A_279 = arith.constant 8 : i32
      %mul3A_280 = arith.constant 8 : i32
      %mul3A_281 = arith.muli %add3A_260, %mul3A_280 : i32
      %add3A_282 = arith.addi %mul3A_2, %mul3A_281 : i32
      %dma_start3A_283 = arith.constant 0 : i32
      %dma_start3A_284 = tpu.memref_slice %arg3[%add3A_282, %dma_start3A_283] : memref<16384x1024xf32, #tpu.memory_space<hbm>> -> memref<8x1024xf32, #tpu.memory_space<hbm>>
      %dma_start3A_285 = arith.constant 0 : i32
      %dma_start3A_286 = tpu.memref_slice %arg3[%add3A_282, %dma_start3A_285] : memref<16384x1024xf32, #tpu.memory_space<hbm>> -> memref<8x1024xf32, #tpu.memory_space<hbm>>
      tpu.enqueue_dma source(%arg10 : memref<8x1024xf32, #tpu.memory_space<vmem>>) target(%dma_start3A_286 : memref<8x1024xf32, #tpu.memory_space<hbm>>) target_semaphore(%arg26 : memref<!tpu.dma_semaphore, #tpu.memory_space<semaphore_mem>>)
      %add3A_287 = arith.constant 7 : i32
      %add3A_288 = arith.addi %add3A_93, %add3A_287 : i32
      %mul3A_289 = arith.constant 8 : i32
      %mul3A_290 = arith.muli %add3A_288, %mul3A_289 : i32
      %add3A_291 = arith.addi %mul3A_2, %mul3A_290 : i32
      %dma_wait3A_292 = arith.constant 0 : i32
      %dma_wait3A_293 = tpu.memref_slice %arg2[%add3A_291, %dma_wait3A_292] : memref<16384x1024xf32, #tpu.memory_space<hbm>> -> memref<8x1024xf32, #tpu.memory_space<hbm>>
      %dma_wait3A_294 = arith.constant 0 : i32
      %dma_wait3A_295 = tpu.memref_slice %arg2[%add3A_291, %dma_wait3A_294] : memref<16384x1024xf32, #tpu.memory_space<hbm>> -> memref<8x1024xf32, #tpu.memory_space<hbm>>
      tpu.wait_dma2 semaphore(%arg19 : memref<!tpu.dma_semaphore, #tpu.memory_space<semaphore_mem>>) src(%dma_wait3A_295 : memref<8x1024xf32, #tpu.memory_space<hbm>>) dst(%arg11 : memref<8x1024xf32, #tpu.memory_space<vmem>>)
      %add3A_296 = arith.constant 6 : i32
      %add3A_297 = arith.addi %add3A_288, %add3A_296 : i32
      %lt3A_298 = arith.constant 64 : i32
      %lt3A_299 = arith.cmpi slt, %add3A_297, %lt3A_298 : i32
      %convert_element_type3A_300 = arith.extui %lt3A_299 : i1 to i32
      %cond3A_301 = arith.constant 0 : i32
      %cond3A_302 = arith.cmpi ne, %convert_element_type3A_300, %cond3A_301 : i32
      scf.if %cond3A_302 {
        %ge3A = arith.constant 8 : i32
        %ge3A_315 = arith.cmpi sge, %add3A_297, %ge3A : i32
        %convert_element_type3A_316 = arith.extui %ge3A_315 : i1 to i32
        %cond3A_317 = arith.constant 0 : i32
        %cond3A_318 = arith.cmpi ne, %convert_element_type3A_316, %cond3A_317 : i32
        scf.if %cond3A_318 {
          %sub3A = arith.constant 8 : i32
          %sub3A_326 = arith.subi %add3A_297, %sub3A : i32
          %mul3A_327 = arith.constant 8 : i32
          %mul3A_328 = arith.muli %sub3A_326, %mul3A_327 : i32
          %add3A_329 = arith.addi %mul3A_2, %mul3A_328 : i32
          %dma_wait3A_330 = arith.constant 0 : i32
          %dma_wait3A_331 = tpu.memref_slice %arg3[%add3A_329, %dma_wait3A_330] : memref<16384x1024xf32, #tpu.memory_space<hbm>> -> memref<8x1024xf32, #tpu.memory_space<hbm>>
          %dma_wait3A_332 = arith.constant 0 : i32
          %dma_wait3A_333 = tpu.memref_slice %arg3[%add3A_329, %dma_wait3A_332] : memref<16384x1024xf32, #tpu.memory_space<hbm>> -> memref<8x1024xf32, #tpu.memory_space<hbm>>
          tpu.wait_dma2 semaphore(%arg25 : memref<!tpu.dma_semaphore, #tpu.memory_space<semaphore_mem>>) src(%arg9 : memref<8x1024xf32, #tpu.memory_space<vmem>>) dst(%dma_wait3A_333 : memref<8x1024xf32, #tpu.memory_space<hbm>>)
        } else {
        }
        %mul3A_319 = arith.constant 8 : i32
        %mul3A_320 = arith.muli %add3A_297, %mul3A_319 : i32
        %add3A_321 = arith.addi %mul3A_2, %mul3A_320 : i32
        %dma_start3A_322 = arith.constant 0 : i32
        %dma_start3A_323 = tpu.memref_slice %arg2[%add3A_321, %dma_start3A_322] : memref<16384x1024xf32, #tpu.memory_space<hbm>> -> memref<8x1024xf32, #tpu.memory_space<hbm>>
        %dma_start3A_324 = arith.constant 0 : i32
        %dma_start3A_325 = tpu.memref_slice %arg2[%add3A_321, %dma_start3A_324] : memref<16384x1024xf32, #tpu.memory_space<hbm>> -> memref<8x1024xf32, #tpu.memory_space<hbm>>
        tpu.enqueue_dma source(%dma_start3A_325 : memref<8x1024xf32, #tpu.memory_space<hbm>>) target(%arg9 : memref<8x1024xf32, #tpu.memory_space<vmem>>) target_semaphore(%arg17 : memref<!tpu.dma_semaphore, #tpu.memory_space<semaphore_mem>>)
      } else {
      }
      %scan3A_303 = arith.constant 0 : i32
      %scan3A_304 = arith.constant 8 : i32
      %scan3A_305 = arith.addi %scan3A_303, %scan3A_304 : i32
      %scan3A_306 = arith.constant 1 : i32
      scf.for %scan3A_315 = %scan3A_303 to %scan3A_305 step %scan3A_306  : i32 {
        %mul3A_316 = arith.constant 1 : i32
        %mul3A_317 = arith.muli %scan3A_315, %mul3A_316 : i32
        %add3A_318 = arith.constant 0 : i32
        %add3A_319 = arith.addi %add3A_318, %mul3A_317 : i32
        %parallel_loop3A = arith.constant 0 : i32
        %parallel_loop3A_320 = arith.constant 64 : i32
        %parallel_loop3A_321 = arith.constant 1 : i32
        scf.for %parallel_loop3A_322 = %parallel_loop3A to %parallel_loop3A_320 step %parallel_loop3A_321  : i32 {
          %parallel_loop3A_323 = arith.constant 16 : i32
          %parallel_loop3A_324 = arith.muli %parallel_loop3A_322, %parallel_loop3A_323 : i32
          %parallel_loop3A_325 = arith.index_cast %add3A_319 : i32 to index
          %parallel_loop3A_326 = arith.index_cast %parallel_loop3A_324 : i32 to index
          %parallel_loop3A_327 = tpu.vector_load %arg11[%parallel_loop3A_325, %parallel_loop3A_326] {strides = array<i32>} : memref<8x1024xf32, #tpu.memory_space<vmem>>, vector<1x16xf32>,
          %parallel_loop3A_328 = vector.shape_cast %parallel_loop3A_327 : vector<1x16xf32> to vector<16xf32>
          %parallel_loop3A_329 = arith.addf %parallel_loop3A_328, %parallel_loop3A_328 : vector<16xf32>
          %parallel_loop3A_330 = arith.constant 1.000000e+00 : f32
          %parallel_loop3A_331 = vector.broadcast %parallel_loop3A_330 : f32 to vector<16xf32>
          %parallel_loop3A_332 = arith.subf %parallel_loop3A_329, %parallel_loop3A_331 : vector<16xf32>
          %parallel_loop3A_333 = arith.constant 16 : i32
          %parallel_loop3A_334 = arith.muli %parallel_loop3A_322, %parallel_loop3A_333 : i32
          %parallel_loop3A_335 = arith.index_cast %add3A_319 : i32 to index
          %parallel_loop3A_336 = arith.index_cast %parallel_loop3A_334 : i32 to index
          %parallel_loop3A_337 = tpu.vector_load %arg11[%parallel_loop3A_335, %parallel_loop3A_336] {strides = array<i32>} : memref<8x1024xf32, #tpu.memory_space<vmem>>, vector<1x16xf32>,
          %parallel_loop3A_338 = vector.shape_cast %parallel_loop3A_337 : vector<1x16xf32> to vector<16xf32>
          %parallel_loop3A_339 = vector.shape_cast %parallel_loop3A_332 : vector<16xf32> to vector<1x16xf32>
          tpu.vector_store %arg11[%parallel_loop3A_335, %parallel_loop3A_336], %parallel_loop3A_339 {strides = array<i32>} : memref<8x1024xf32, #tpu.memory_space<vmem>>, vector<1x16xf32>,
        } {sc.loop_unroll_factor = 8 : i64, sc.parallel_access}
      }
      %scan3A_307 = arith.constant 8 : i32
      %mul3A_308 = arith.constant 8 : i32
      %mul3A_309 = arith.muli %add3A_288, %mul3A_308 : i32
      %add3A_310 = arith.addi %mul3A_2, %mul3A_309 : i32
      %dma_start3A_311 = arith.constant 0 : i32
      %dma_start3A_312 = tpu.memref_slice %arg3[%add3A_310, %dma_start3A_311] : memref<16384x1024xf32, #tpu.memory_space<hbm>> -> memref<8x1024xf32, #tpu.memory_space<hbm>>
      %dma_start3A_313 = arith.constant 0 : i32
      %dma_start3A_314 = tpu.memref_slice %arg3[%add3A_310, %dma_start3A_313] : memref<16384x1024xf32, #tpu.memory_space<hbm>> -> memref<8x1024xf32, #tpu.memory_space<hbm>>
      tpu.enqueue_dma source(%arg11 : memref<8x1024xf32, #tpu.memory_space<vmem>>) target(%dma_start3A_314 : memref<8x1024xf32, #tpu.memory_space<hbm>>) target_semaphore(%arg27 : memref<!tpu.dma_semaphore, #tpu.memory_space<semaphore_mem>>)
    }
    %scan3A_41 = arith.constant 8 : i32
    %add3A_42 = arith.constant 448 : i32
    %add3A_43 = arith.addi %mul3A_2, %add3A_42 : i32
    %dma_wait3A = arith.constant 0 : i32
    %dma_wait3A_44 = tpu.memref_slice %arg3[%add3A_43, %dma_wait3A] : memref<16384x1024xf32, #tpu.memory_space<hbm>> -> memref<8x1024xf32, #tpu.memory_space<hbm>>
    %dma_wait3A_45 = arith.constant 0 : i32
    %dma_wait3A_46 = tpu.memref_slice %arg3[%add3A_43, %dma_wait3A_45] : memref<16384x1024xf32, #tpu.memory_space<hbm>> -> memref<8x1024xf32, #tpu.memory_space<hbm>>
    tpu.wait_dma2 semaphore(%arg20 : memref<!tpu.dma_semaphore, #tpu.memory_space<semaphore_mem>>) src(%arg4 : memref<8x1024xf32, #tpu.memory_space<vmem>>) dst(%dma_wait3A_46 : memref<8x1024xf32, #tpu.memory_space<hbm>>)
    %add3A_47 = arith.constant 456 : i32
    %add3A_48 = arith.addi %mul3A_2, %add3A_47 : i32
    %dma_wait3A_49 = arith.constant 0 : i32
    %dma_wait3A_50 = tpu.memref_slice %arg3[%add3A_48, %dma_wait3A_49] : memref<16384x1024xf32, #tpu.memory_space<hbm>> -> memref<8x1024xf32, #tpu.memory_space<hbm>>
    %dma_wait3A_51 = arith.constant 0 : i32
    %dma_wait3A_52 = tpu.memref_slice %arg3[%add3A_48, %dma_wait3A_51] : memref<16384x1024xf32, #tpu.memory_space<hbm>> -> memref<8x1024xf32, #tpu.memory_space<hbm>>
    tpu.wait_dma2 semaphore(%arg21 : memref<!tpu.dma_semaphore, #tpu.memory_space<semaphore_mem>>) src(%arg5 : memref<8x1024xf32, #tpu.memory_space<vmem>>) dst(%dma_wait3A_52 : memref<8x1024xf32, #tpu.memory_space<hbm>>)
    %add3A_53 = arith.constant 464 : i32
    %add3A_54 = arith.addi %mul3A_2, %add3A_53 : i32
    %dma_wait3A_55 = arith.constant 0 : i32
    %dma_wait3A_56 = tpu.memref_slice %arg3[%add3A_54, %dma_wait3A_55] : memref<16384x1024xf32, #tpu.memory_space<hbm>> -> memref<8x1024xf32, #tpu.memory_space<hbm>>
    %dma_wait3A_57 = arith.constant 0 : i32
    %dma_wait3A_58 = tpu.memref_slice %arg3[%add3A_54, %dma_wait3A_57] : memref<16384x1024xf32, #tpu.memory_space<hbm>> -> memref<8x1024xf32, #tpu.memory_space<hbm>>
    tpu.wait_dma2 semaphore(%arg22 : memref<!tpu.dma_semaphore, #tpu.memory_space<semaphore_mem>>) src(%arg6 : memref<8x1024xf32, #tpu.memory_space<vmem>>) dst(%dma_wait3A_58 : memref<8x1024xf32, #tpu.memory_space<hbm>>)
    %add3A_59 = arith.constant 472 : i32
    %add3A_60 = arith.addi %mul3A_2, %add3A_59 : i32
    %dma_wait3A_61 = arith.constant 0 : i32
    %dma_wait3A_62 = tpu.memref_slice %arg3[%add3A_60, %dma_wait3A_61] : memref<16384x1024xf32, #tpu.memory_space<hbm>> -> memref<8x1024xf32, #tpu.memory_space<hbm>>
    %dma_wait3A_63 = arith.constant 0 : i32
    %dma_wait3A_64 = tpu.memref_slice %arg3[%add3A_60, %dma_wait3A_63] : memref<16384x1024xf32, #tpu.memory_space<hbm>> -> memref<8x1024xf32, #tpu.memory_space<hbm>>
    tpu.wait_dma2 semaphore(%arg23 : memref<!tpu.dma_semaphore, #tpu.memory_space<semaphore_mem>>) src(%arg7 : memref<8x1024xf32, #tpu.memory_space<vmem>>) dst(%dma_wait3A_64 : memref<8x1024xf32, #tpu.memory_space<hbm>>)
    %add3A_65 = arith.constant 480 : i32
    %add3A_66 = arith.addi %mul3A_2, %add3A_65 : i32
    %dma_wait3A_67 = arith.constant 0 : i32
    %dma_wait3A_68 = tpu.memref_slice %arg3[%add3A_66, %dma_wait3A_67] : memref<16384x1024xf32, #tpu.memory_space<hbm>> -> memref<8x1024xf32, #tpu.memory_space<hbm>>
    %dma_wait3A_69 = arith.constant 0 : i32
    %dma_wait3A_70 = tpu.memref_slice %arg3[%add3A_66, %dma_wait3A_69] : memref<16384x1024xf32, #tpu.memory_space<hbm>> -> memref<8x1024xf32, #tpu.memory_space<hbm>>
    tpu.wait_dma2 semaphore(%arg24 : memref<!tpu.dma_semaphore, #tpu.memory_space<semaphore_mem>>) src(%arg8 : memref<8x1024xf32, #tpu.memory_space<vmem>>) dst(%dma_wait3A_70 : memref<8x1024xf32, #tpu.memory_space<hbm>>)
    %add3A_71 = arith.constant 488 : i32
    %add3A_72 = arith.addi %mul3A_2, %add3A_71 : i32
    %dma_wait3A_73 = arith.constant 0 : i32
    %dma_wait3A_74 = tpu.memref_slice %arg3[%add3A_72, %dma_wait3A_73] : memref<16384x1024xf32, #tpu.memory_space<hbm>> -> memref<8x1024xf32, #tpu.memory_space<hbm>>
    %dma_wait3A_75 = arith.constant 0 : i32
    %dma_wait3A_76 = tpu.memref_slice %arg3[%add3A_72, %dma_wait3A_75] : memref<16384x1024xf32, #tpu.memory_space<hbm>> -> memref<8x1024xf32, #tpu.memory_space<hbm>>
    tpu.wait_dma2 semaphore(%arg25 : memref<!tpu.dma_semaphore, #tpu.memory_space<semaphore_mem>>) src(%arg9 : memref<8x1024xf32, #tpu.memory_space<vmem>>) dst(%dma_wait3A_76 : memref<8x1024xf32, #tpu.memory_space<hbm>>)
    %add3A_77 = arith.constant 496 : i32
    %add3A_78 = arith.addi %mul3A_2, %add3A_77 : i32
    %dma_wait3A_79 = arith.constant 0 : i32
    %dma_wait3A_80 = tpu.memref_slice %arg3[%add3A_78, %dma_wait3A_79] : memref<16384x1024xf32, #tpu.memory_space<hbm>> -> memref<8x1024xf32, #tpu.memory_space<hbm>>
    %dma_wait3A_81 = arith.constant 0 : i32
    %dma_wait3A_82 = tpu.memref_slice %arg3[%add3A_78, %dma_wait3A_81] : memref<16384x1024xf32, #tpu.memory_space<hbm>> -> memref<8x1024xf32, #tpu.memory_space<hbm>>
    tpu.wait_dma2 semaphore(%arg26 : memref<!tpu.dma_semaphore, #tpu.memory_space<semaphore_mem>>) src(%arg10 : memref<8x1024xf32, #tpu.memory_space<vmem>>) dst(%dma_wait3A_82 : memref<8x1024xf32, #tpu.memory_space<hbm>>)
    %add3A_83 = arith.constant 504 : i32
    %add3A_84 = arith.addi %mul3A_2, %add3A_83 : i32
    %dma_wait3A_85 = arith.constant 0 : i32
    %dma_wait3A_86 = tpu.memref_slice %arg3[%add3A_84, %dma_wait3A_85] : memref<16384x1024xf32, #tpu.memory_space<hbm>> -> memref<8x1024xf32, #tpu.memory_space<hbm>>
    %dma_wait3A_87 = arith.constant 0 : i32
    %dma_wait3A_88 = tpu.memref_slice %arg3[%add3A_84, %dma_wait3A_87] : memref<16384x1024xf32, #tpu.memory_space<hbm>> -> memref<8x1024xf32, #tpu.memory_space<hbm>>
    tpu.wait_dma2 semaphore(%arg27 : memref<!tpu.dma_semaphore, #tpu.memory_space<semaphore_mem>>) src(%arg11 : memref<8x1024xf32, #tpu.memory_space<vmem>>) dst(%dma_wait3A_88 : memref<8x1024xf32, #tpu.memory_space<hbm>>)
    return
  }
}

</mosaic_0001>

<sc_bundles>
// kernel: kernel.3.cloned.1.call-start
scs
__scs_entry_jumppad:
0x0: {  	(pc) =	sbr.rel $0x88, $3  }
0x1: {  	(tag) =	ssettag $0x0;
	lr =	simm.s32 $0x1  }
0x2: {  	[smem:$0x3FA0] =	sst lr;
	_ =	strace $0xD0000000  }
0x3: {  	_ = 	snop  }
0x4: {  	_ = 	snop  }
0x5: {  	_ = 	snop  }
0x6: {  	_ = 	snop  }
0x7: {  	_ = 	snop  }
__scs_overlays_trampoline_lowered:
0x8: {  	[smem:$0x3FAF] =	sst s0  }
0x9: {  	[smem:$0x3FB0] =	sst s1  }
0xa: {  	[smem:$0x3FB1] =	sst s2  }
0xb: {  	[smem:$0x3FB2] =	sst s3  }
0xc: {  	[smem:$0x3FB3] =	sst s4  }
0xd: {  	[smem:$0x3FB4] =	sst s5  }
0xe: {  	[smem:$0x3FB5] =	sst s6  }
0xf: {  	[smem:$0x3FB6] =	sst s7  }
0x10: {  	[smem:$0x3FB7] =	sst s8  }
0x11: {  	[smem:$0x3FB8] =	sst s9;
	s0 =	simm.s32 @!p0 $0x0  }
0x12: {  	s1 =	sld [smem:$0x3F9E];
	s0 =	simm.s32 @p0 $0x1  }
0x13: {  	[smem:$0x3FB9] =	sst s0;
	s0 =	simm.s32 @!p1 $0x0  }
0x14: {  	s2 =	sld [smem:$0x3F9D];
	s0 =	simm.s32 @p1 $0x1  }
0x15: {  	[smem:$0x3FBA] =	sst s0;
	s0 =	simm.s32 @!p2 $0x0  }
0x16: {  	s3 =	sld [smem:$0x3FDB];
	s0 =	simm.s32 @p2 $0x1  }
0x17: {  	s4 =	simm.s32 $0x1BF5;
	[smem:$0x3FBC] =	sst s0  }
0x18: {  	s0 =	sld [smem:$0x3F9F];
	_ =	swait.ge [sflag:s4], $0x0  }
0x19: {  	s7 =	sld [smem:$0x3FA0]  }
0x1a: {  	s8 =	sadd.s32 $0xFFFFE003, lr  }
0x1b: {  	s9 =	sadd.s32 $0xFFFFFEF7, lr;
	s5 =	simm.s32 $0xFFFFFFFF;
	p2 =	slt.u32 s8, $0xFFFFF086  }
0x1c: {  	p1 =	slt.u32 s9, $0xF7A;
	s5 =	simm.s32 @!p2 $0x0  }
0x1d: {  	s5 =	simm.s32 @p1 $0x1;
	p0 =	seq.s32 s7, s2  }
0x1e: {  	s7 =	smul.u32 @!p0 $0xF7A, s2;
	p2 =	seq.s32 @!p0 s5, $0x0  }
0x1f: {  	s9 =	smul.u32 $0xF7A, s1;
	s8 =	simm.s32 @!p0 $0x1BF5;
	p2 =	por !p2, p0  }
0x20: {  	[sflag:s8] =	ssyncset.s32 @!p0 $0xFFFFF086;
	s6 =	sadd.s32 @!p0 s3, s7;
	s7 =	simm.s32 @!p0 $0x108  }
0x21: {  	s3 =	sadd.s32 s3, s9;
	s6 =	sadd.s32 @!p0 $0x88, s6;
	s7 =	simm.s32 @p2 $0x1082  }
0x22: {  	[simem:s7], [sflag:s8] =	dma.local @!p0 [hbm:s6], $0xF7A  }
0x23: {  	s9 =	sor.u32 $0xD0000000, s2;
	s6 =	simm.s32 $0x108;
	_ =	swait.ge @!p0 [sflag:s8], $0x0  }
0x24: {  	s3 =	sadd.s32 $0x88, s3;
	s6 =	simm.s32 @!p1 $0x1082;
	[sflag:s4] =	ssyncset.s32 $0xFFFFF086  }
0x25: {  	[simem:s6], [sflag:s4] =	dma.local [hbm:s3], $0xF7A  }
0x26: {  	[smem:$0x3FA0] =	sst s1;
	(tag) =	ssettag s2;
	_ =	strace s9  }
0x27: {  	s1 =	sld [smem:$0x3FB0]  }
0x28: {  	s2 =	sld [smem:$0x3FB1]  }
0x29: {  	s4 =	sld [smem:$0x3FB3]  }
0x2a: {  	p0 =	seq.s32 s5, $0x0;
	s5 =	sld [smem:$0x3FB4]  }
0x2b: {  	s6 =	sld [smem:$0x3FB5]  }
0x2c: {  	s7 =	sld [smem:$0x3FB6]  }
0x2d: {  	s3 =	simm.s32 $0x108;
	s8 =	sld [smem:$0x3FB7]  }
0x2e: {  	s3 =	simm.s32 @!p0 $0x1082;
	s9 =	sld [smem:$0x3FB8]  }
0x2f: {  	lr =	sadd.s32 s0, s3;
	s0 =	sld [smem:$0x3FAF]  }
0x30: {  	s3 =	sld [smem:$0x3FB2]  }
0x31: {  	[smem:$0x3FBB] =	sst s10  }
0x32: {  	s10 =	sld [smem:$0x3FB9];
	_ =	sdelay $0x3  }
0x33: {  	p0 =	seq.s32 s10, $0x1;
	s10 =	sld [smem:$0x3FBB];
	_ =	sdelay $0x3  }
0x34: {  	[smem:$0x3FBB] =	sst s10  }
0x35: {  	s10 =	sld [smem:$0x3FBA];
	_ =	sdelay $0x3  }
0x36: {  	p1 =	seq.s32 s10, $0x1;
	s10 =	sld [smem:$0x3FBB];
	_ =	sdelay $0x3  }
0x37: {  	[smem:$0x3FBB] =	sst s10  }
0x38: {  	s10 =	sld [smem:$0x3FBC]  }
0x39: {  	_ = 	snop;
	(pc) =	sbr.ind lr, $3  }
0x3a: {  	_ = 	snop  }
0x3b: {  	_ = 	snop  }
0x3c: {  	p2 =	seq.s32 s10, $0x1;
	s10 =	sld [smem:$0x3FBB]  }
0x3d: {  	_ =	shalt  }
0x3e: {  	_ =	shalt  }
0x3f: {  	_ =	shalt  }
0x40: {  	_ =	shalt  }
0x41: {  	_ =	shalt  }
0x42: {  	_ =	shalt  }
0x43: {  	_ =	shalt  }
0x44: {  	_ =	shalt  }
0x45: {  	_ =	shalt  }
0x46: {  	_ =	shalt  }
0x47: {  	_ =	shalt  }
0x48: {  	_ =	shalt  }
0x49: {  	_ =	shalt  }
0x4a: {  	_ =	shalt  }
0x4b: {  	_ =	shalt  }
0x4c: {  	_ =	shalt  }
0x4d: {  	_ =	shalt  }
0x4e: {  	_ =	shalt  }
0x4f: {  	_ =	shalt  }
0x50: {  	_ =	shalt  }
0x51: {  	_ =	shalt  }
0x52: {  	_ =	shalt  }
0x53: {  	_ =	shalt  }
0x54: {  	_ =	shalt  }
0x55: {  	_ =	shalt  }
0x56: {  	_ =	shalt  }
0x57: {  	_ =	shalt  }
0x58: {  	_ =	shalt  }
0x59: {  	_ =	shalt  }
0x5a: {  	_ =	shalt  }
0x5b: {  	_ =	shalt  }
0x5c: {  	_ =	shalt  }
0x5d: {  	_ =	shalt  }
0x5e: {  	_ =	shalt  }
0x5f: {  	_ =	shalt  }
0x60: {  	_ =	shalt  }
0x61: {  	_ =	shalt  }
0x62: {  	_ =	shalt  }
0x63: {  	_ =	shalt  }
0x64: {  	_ =	shalt  }
0x65: {  	_ =	shalt  }
0x66: {  	_ =	shalt  }
0x67: {  	_ =	shalt  }
0x68: {  	_ =	shalt  }
0x69: {  	_ =	shalt  }
0x6a: {  	_ =	shalt  }
0x6b: {  	_ =	shalt  }
0x6c: {  	_ =	shalt  }
0x6d: {  	_ =	shalt  }
0x6e: {  	_ =	shalt  }
0x6f: {  	_ =	shalt  }
0x70: {  	_ =	shalt  }
0x71: {  	_ =	shalt  }
0x72: {  	_ =	shalt  }
0x73: {  	_ =	shalt  }
0x74: {  	_ =	shalt  }
0x75: {  	_ =	shalt  }
0x76: {  	_ =	shalt  }
0x77: {  	_ =	shalt  }
0x78: {  	_ =	shalt  }
0x79: {  	_ =	shalt  }
0x7a: {  	_ =	shalt  }
0x7b: {  	_ =	shalt  }
0x7c: {  	_ =	shalt  }
0x7d: {  	_ =	shalt  }
0x7e: {  	_ =	shalt  }
0x7f: {  	_ =	shalt  }
0x80: {  	_ =	shalt  }
0x81: {  	_ =	shalt  }
0x82: {  	_ =	shalt  }
0x83: {  	_ =	shalt  }
0x84: {  	_ =	shalt  }
0x85: {  	_ =	shalt  }
0x86: {  	_ =	shalt  }
0x87: {  	_ =	shalt  }
.Lfunc_end0:
.L_simem_size_0:
called_computation_lowered:
.L_overlay_start_0:
0x88: {  	s2 =	sld [smem:$0x3FD9]  }
0x89: {  	s3 =	sld [smem:$0x3FFE];
	_ =	sdelay $0x1  }
0x8a: {  	s1 =	srdreg.scid  }
0x8b: {  	s0 =	sand.u32 $0x1, s1  }
0x8c: {  	s18 =	sshll.u32 s0, $0xA;
	s2 =	sadd.s32 s3, s2  }
0x8d: {  	s2 =	sadd.s32 s2, s18  }
0x8e: {  	[smem:$0x3FC7] =	sst s2  }
0x8f: {  	_ = 	snop  }
0x90: {  	s2 =	sld [smem:$0x3FC9]  }
0x91: {  	s19 =	sld [smem:$0x3FD0];
	(tm) =	ssettm $0x1  }
0x92: {  	s4 =	sld [smem:$0x3FFB];
	_ =	sdelay $0x3  }
0x93: {  	_ =	strace s4  }
0x94: {  	s4 =	sld [smem:$0x3FFC];
	_ =	sdelay $0x3  }
0x95: {  	_ =	strace s4  }
0x96: {  	s4 =	sld [smem:$0x3FFD];
	_ =	sdelay $0x3  }
0x97: {  	_ =	strace s4  }
0x98: {  	_ =	strace $0x8FFFFFFF  }
0x99: {  	s20 =	sld [smem:$0x3FDB];
	_ =	sdelay $0x1  }
0x9a: {  	s5 =	simm.s32 $_scs_section_size  }
0x9b: {  	s6 =	simm.s32 $_size__tile_overlayer_lowered;
	s7 =	simm.s32 $_tile_overlayer_lowered  }
0x9c: {  	s23 =	simm.s32 $0x1BFF;
	s22 =	sshll.u32 s7, $0x1;
	s4 =	sadd.s32 s5, s20  }
0x9d: {  	s8 =	simm.s32 $0x0;
	s21 =	sshll.u32 s6, $0x1;
	s6 =	sadd.s32 s22, s4  }
0x9e: {  	[timem:s8], [sflag:s23] =	dma.local [hbm:s6], s21  }
0x9f: {  	_ =	swait.ge [sflag:s23], s21  }
0xa0: {  	s5 =	ssub.s32 $0x0, s21;
	[sflag:s23] =	ssyncset.done $0x0  }
0xa1: {  	[sflag:s23] =	ssyncadd.s32 s5;
	_ =	sdelay $0x1  }
0xa2: {  	s24 =	simm.s32 $0x1B8B  }
0xa3: {  	_ =	swait.ge [sflag:s24], $0x1  }
0xa4: {  	[sflag:s24] =	ssyncset.done $0x0  }
0xa5: {  	s25 =	simm.s32 $0x1B8E;
	[sflag:s24] =	ssyncadd.s32 $0xFFFFFFFF  }
0xa6: {  	s26 =	simm.s32 $execute0_lowered;
	[smem:$0x3FD2] =	sst s25  }
0xa7: {  	s5 =	sshll.u32 s26, $0x1;
	_ =	strace $0x80000046;
	[dreg:$0x1] =	wrdreg $0xFFFFFFFF  }
0xa8: {  	s28 =	simm.s32 $_size_execute0_lowered;
	s4 =	sadd.s32 s4, s5;
	[dreg:$0x0] =	wrdreg $0x0  }
0xa9: {  	s5 =	sshll.u32 s28, $0x1;
	[dreg:$0x2] =	wrdreg s4  }
0xaa: {  	[dreg:$0x3] =	wrdreg s5  }
0xab: {  	[dreg:$0x4] =	wrdreg $0xC0  }
0xac: {  	_ =	task [dreg:s8], $0x5FFFF  }
0xad: {  	[dreg:$0x1] =	wrdreg $0xFFFFFFFF  }
0xae: {  	[dreg:$0x0] =	wrdreg $0x60  }
0xaf: {  	[dreg:$0x2] =	wrdreg s2  }
0xb0: {  	[dreg:$0x3] =	wrdreg s19  }
0xb1: {  	[dreg:$0x4] =	wrdreg $0x9  }
0xb2: {  	_ =	task.clear_ibuf [dreg:s8], $0x5FFFF;
	_ =	strace $0x90000046  }
0xb3: {  	s29 =	simm.s32 $0x9;
	_ =	strace $0x80000048  }
0xb4: {  	_ =	swait.ge [sflag:s29], $0x1  }
0xb5: {  	[sflag:s29] =	ssyncadd.s32 $0xFFFFFFFF  }
0xb6: {  	_ =	strace $0x90000048  }
0xb7: {  	_ =	sfence  }
0xb8: {  	s30 =	sld [smem:$0x0];
	_ =	sdelay $0x2  }
0xb9: {  	s31 =	sshll.u32 s1, $0xD;
	s1 =	sshrl.u32 s1, $0x2  }
0xba: {  	s3 =	sand.u32 $0x4000, s31;
	s1 =	sadd.s32 s1, s30  }
0xbb: {  	s0 =	sor.u32 s3, s0;
	s1 =	sshll.u32 s1, $0x11  }
0xbc: {  	s0 =	sor.u32 s1, s0  }
0xbd: {  	s0 =	sadd.s32 $0x8F2B, s0  }
0xbe: {  	[sflag:s0] =	ssyncadd.remote.s32 $0x1  }
0xbf: {  	_ =	sfence.sel $0xFFFF  }
0xc0: {  	[dreg:$0x0] =	wrdreg $0xFFFFFFFF;
	(pc) =	sbr.abs _section_cstart, $3  }
0xc1: {  	[dreg:$0x1] =	wrdreg $0xFFFFFFFF  }
0xc2: {  	_ =	task.clear_ibuf [dreg:s8], $0x2FFFF;
	_ =	strace $0x9FFFFFFF  }
0xc3: {  	(tm) =	ssettm $0x7FFFFFFF  }
tec
execute0_lowered:
.L_overlay_start_1:
0x0: {  	(tag) =	ssettag $0x1  }
0x1: {  	s0 =	srdreg.scid;
	s2 =	rddreg [dreg:$0x0]  }
0x2: {  	s1 =	stileid.u32;
	s3 =	rddreg [dreg:$0x1]  }
0x3: {  	s4 =	simm.s32 $0x0;
	s28 =	simm.s32 $0xC000;
	s29 =	simm.s32 $0x2  }
0x4: {  	s30 =	simm.s32 $0xE000;
	s31 =	simm.s32 $0x3;
	s0 =	sand.u32 $0x1, s0  }
0x5: {  	s8 =	simm.s32 $0x7;
	s1 =	sshll.u32 s1, $0xA;
	s5 =	sshll.u32 s0, $0x9  }
0x6: {  	s9 =	simm.s32 $0x8;
	s10 =	simm.s32 $0x0;
	s6 =	sor.u32 s5, s1  }
0x7: {  	[smem:$0x7FF] =	sst s4;
	s0 =	ssub.s32 $0x2, s0;
	s1 =	sshll.u32 s6, $0x7  }
0x8: {  	_ =	strace $0x80000047;
	s19 =	sshrl.u32 s0, $0x1;
	s7 =	sadd.s32 s2, s1  }
0x9: {  	s11 =	sshrl.u32 s6, $0x3;
	s1 =	sadd.s32 s3, s1;
	[dreg:$0x3] =	wrdreg s7  }
0xa: {  	s0 =	ssub.s32 s0, s19;
	s25 =	sor.u32 $0x8, s11;
	[dreg:$0x9] =	wrdreg s1  }
0xb: {  	s15 =	smov.u32 s6;
	s26 =	sor.u32 $0x9, s11;
	[dreg:$0xa] =	wrdreg s25  }
0xc: {  	s16 =	sor.u32 $0xA, s11;
	s0 =	smax.u32 s0, $0x1;
	[dreg:$0xb] =	wrdreg s26  }
0xd: {  	s17 =	sor.u32 $0xB, s11;
	s20 =	sadd.s32 $0x400, s7;
	[dreg:$0xc] =	wrdreg s0  }
0xe: {  	s18 =	sor.u32 $0xC, s11;
	s21 =	sadd.s32 $0x800, s7;
	[dreg:$0x4] =	wrdreg s20  }
0xf: {  	s19 =	sor.u32 $0xD, s11;
	s22 =	sadd.s32 $0xC00, s7;
	[dreg:$0x5] =	wrdreg s21  }
0x10: {  	s23 =	sadd.s32 $0x1000, s7;
	s24 =	sadd.s32 $0x1400, s7;
	[dreg:$0x6] =	wrdreg s22  }
0x11: {  	s26 =	simm.s32 $0x1;
	s1 =	simm.s32 $0x4;
	[dreg:$0x7] =	wrdreg s23  }
0x12: {  	s0 =	simm.s32 $0x5;
	s7 =	simm.s32 $0x6;
	[dreg:$0x8] =	wrdreg s24  }
.LBB2_1:
0x13: {  	[dreg:$0xd] =	wrdreg s10  }
0x14: {  	s5 =	rddreg [dreg:$0x3]  }
0x15: {  	[tilespmem:s4], [sflag:$0x1] =	stream.linear.gather [hbm4b:s5+s4], $0x2000, $0x38;
	[tilespmem:$0x10000] =	vst v63  }
0x16: {  	s12 =	rddreg [dreg:$0x4];
	s6 =	simm.s32 $0x2000  }
0x17: {  	[tilespmem:s6], [sflag:$0x2] =	stream.linear.gather [hbm4b:s12+s4], $0x2000, $0x38;
	[tilespmem:$0x10000] =	vst v63  }
0x18: {  	s13 =	rddreg [dreg:$0x5];
	s14 =	simm.s32 $0x4000  }
0x19: {  	[tilespmem:s14], [sflag:$0x3] =	stream.linear.gather [hbm4b:s13+s4], $0x2000, $0x38;
	[tilespmem:$0x10000] =	vst v63  }
0x1a: {  	s20 =	rddreg [dreg:$0x6];
	s21 =	simm.s32 $0x6000  }
0x1b: {  	[tilespmem:s21], [sflag:$0x4] =	stream.linear.gather [hbm4b:s20+s4], $0x2000, $0x38;
	[tilespmem:$0x10000] =	vst v63  }
0x1c: {  	s22 =	rddreg [dreg:$0x7];
	s23 =	simm.s32 $0x8000  }
0x1d: {  	[tilespmem:s23], [sflag:$0x5] =	stream.linear.gather [hbm4b:s22+s4], $0x2000, $0x38;
	[tilespmem:$0x10000] =	vst v63  }
0x1e: {  	s24 =	rddreg [dreg:$0x8];
	s25 =	simm.s32 $0xA000;
	s12 =	simm.s32 $0x0  }
0x1f: {  	[tilespmem:s25], [sflag:$0x6] =	stream.linear.gather [hbm4b:s24+s4], $0x2000, $0x38;
	[tilespmem:$0x10000] =	vst v63  }
.LBB2_2:
0x20: {  	s20 =	sshll.u32 s12, $0x3;
	_ =	swait.ge [sflag:s26], $0x2000  }
0x21: {  	p0 =	seq.s32 s12, $0x0;
	[sflag:s26] =	ssyncset.done $0x0;
	s5 =	sor.u32 $0x6, s20  }
0x22: {  	s10 =	simm.s32 @!p0 $0xF;
	[sflag:s26] =	ssyncadd.s32 $0xFFFFE000;
	s5 =	sadd.s32 s11, s5  }
0x23: {  	_ =	swait.ge @!p0 [sflag:s10], $0x2000;
	s5 =	sshll.u32 s5, $0xA  }
0x24: {  	s21 =	simm.s32 $0x40;
	[sflag:s10] =	ssyncset.done @!p0 $0x0;
	s6 =	sand.u32 $0x1FFFF800, s5  }
0x25: {  	[sflag:s10] =	ssyncadd.s32 @!p0 $0xFFFFE000;
	s5 =	sadd.s32 s2, s6;
	s10 =	simm.s32 $0x0  }
0x26: {  	[tilespmem:s28], [sflag:$0x7] =	stream.linear.gather [hbm4b:s5+s10], $0x2000, $0x38;
	[tilespmem:$0x10000] =	vst v63  }
.LBB2_3:
0x27: {  	v0 =	vld [tilespmem:s21+$0x30]  }
0x28: {  	v1 =	vld [tilespmem:s21+$0xFFFFFFD0]  }
0x29: {  	v2 =	vld [tilespmem:s21+$0xFFFFFFE0]  }
0x2a: {  	v4 =	vld [tilespmem:s21+$0x0]  }
0x2b: {  	v3 =	vld [tilespmem:s21+$0xFFFFFFF0];
	_ =	sdelay $0x1  }
0x2c: {  	v5 =	vld [tilespmem:s21+$0x10];
	v0 =	vadd.f32 v0, v0  }
0x2d: {  	v6 =	vld [tilespmem:s21+$0x20];
	v1 =	vadd.f32 v1, v1;
	v2 =	vadd.f32 v2, v2  }
0x2e: {  	v7 =	vld [tilespmem:s21+$0xFFFFFFC0];
	s22 =	sadd.s32 $0x400, s21;
	v4 =	vadd.f32 v4, v4;
	v0 =	vadd.f32 $-1.000000000e+00, v0  }
0x2f: {  	v8 =	vld [tilespmem:s22+$0x30];
	v3 =	vadd.f32 v3, v3;
	v1 =	vadd.f32 $-1.000000000e+00, v1  }
0x30: {  	v9 =	vld [tilespmem:s22+$0xFFFFFFD0];
	v10 =	vadd.f32 $-1.000000000e+00, v2;
	v4 =	vadd.f32 $-1.000000000e+00, v4;
	[tilespmem:s21+$0x30] =	vst v0  }
0x31: {  	v11 =	vld [tilespmem:s22+$0xFFFFFFE0];
	[tilespmem:s21+$0xFFFFFFD0] =	vst v1;
	v0 =	vadd.f32 $-1.000000000e+00, v3;
	v3 =	vadd.f32 v5, v5  }
0x32: {  	v2 =	vld [tilespmem:s22+$0xFFFFFFF0];
	[tilespmem:s21+$0xFFFFFFE0] =	vst v10;
	v5 =	vadd.f32 v6, v6  }
0x33: {  	v7 =	vadd.f32 v7, v7;
	v1 =	vld [tilespmem:s22+$0x0];
	[tilespmem:s21+$0x0] =	vst v4;
	v10 =	vadd.f32 $-1.000000000e+00, v3  }
0x34: {  	v12 =	vadd.f32 v8, v8;
	[tilespmem:s21+$0xFFFFFFF0] =	vst v0;
	v0 =	vld [tilespmem:s22+$0x10];
	v13 =	vadd.f32 $-1.000000000e+00, v5  }
0x35: {  	v7 =	vadd.f32 $-1.000000000e+00, v7;
	v6 =	vadd.f32 v9, v9;
	v3 =	vld [tilespmem:s22+$0x20];
	[tilespmem:s21+$0x10] =	vst v10  }
0x36: {  	s23 =	simm.s32 $0x8;
	s5 =	smov.u32 s21;
	s13 =	sadd.s32 $0x400, s22;
	v8 =	vadd.f32 v11, v11;
	v4 =	vld [tilespmem:s22+$0xFFFFFFC0];
	v5 =	vadd.f32 $-1.000000000e+00, v12;
	[tilespmem:s21+$0x20] =	vst v13  }
.LBB2_4:
0x37: {  	v9 =	vld [tilespmem:s13+$0x30];
	s23 =	sadd.s32 $0x8, s23;
	v6 =	vadd.f32 $-1.000000000e+00, v6;
	v2 =	vadd.f32 v2, v2;
	[tilespmem:s5+$0xFFFFFFC0] =	vst v7;
	s5 =	smov.u32 s22;
	s22 =	smov.u32 s13  }
0x38: {  	v7 =	vld [tilespmem:s13+$0xFFFFFFD0];
	p1 =	slt.u32 s23, $0x38;
	v8 =	vadd.f32 $-1.000000000e+00, v8;
	v1 =	vadd.f32 v1, v1;
	[tilespmem:s5+$0x30] =	vst v5  }
0x39: {  	v5 =	vld [tilespmem:s13+$0xFFFFFFE0];
	[tilespmem:s5+$0xFFFFFFD0] =	vst v6;
	v6 =	vadd.f32 $-1.000000000e+00, v2;
	v0 =	vadd.f32 v0, v0  }
.Ltmp0:
0x3a: {  	v2 =	vld [tilespmem:s13+$0xFFFFFFF0];
	[tilespmem:s5+$0xFFFFFFE0] =	vst v8;
	v8 =	vadd.f32 $-1.000000000e+00, v1;
	v3 =	vadd.f32 v3, v3;
	(pc) =	sbr.rel @p1 .LBB2_4-.Ltmp0, $4  }
0x3b: {  	v1 =	vld [tilespmem:s13+$0x0];
	v4 =	vadd.f32 v4, v4;
	[tilespmem:s5+$0xFFFFFFF0] =	vst v6;
	v10 =	vadd.f32 $-1.000000000e+00, v0  }
0x3c: {  	v0 =	vld [tilespmem:s13+$0x10];
	v9 =	vadd.f32 v9, v9;
	[tilespmem:s5+$0x0] =	vst v8;
	v11 =	vadd.f32 $-1.000000000e+00, v3  }
0x3d: {  	v6 =	vadd.f32 v7, v7;
	v3 =	vld [tilespmem:s13+$0x20];
	v7 =	vadd.f32 $-1.000000000e+00, v4;
	[tilespmem:s5+$0x10] =	vst v10  }
0x3e: {  	s13 =	sadd.s32 $0x400, s13;
	v4 =	vld [tilespmem:s22+$0xFFFFFFC0];
	v8 =	vadd.f32 v5, v5;
	v5 =	vadd.f32 $-1.000000000e+00, v9;
	[tilespmem:s5+$0x20] =	vst v11  }
0x3f: {  	v6 =	vadd.f32 $-1.000000000e+00, v6;
	v2 =	vadd.f32 v2, v2;
	[tilespmem:s5+$0xFFFFFFC0] =	vst v7  }
0x40: {  	v61 =	vadd.f32 $-1.000000000e+00, v8;
	v1 =	vadd.f32 v1, v1;
	[tilespmem:s22+$0x30] =	vst v5  }
0x41: {  	s10 =	sadd.s32 $0x1, s10;
	[tilespmem:s22+$0xFFFFFFD0] =	vst v6;
	v2 =	vadd.f32 $-1.000000000e+00, v2;
	v0 =	vadd.f32 v0, v0  }
0x42: {  	p1 =	sne.s32 s10, $0x8;
	[tilespmem:s22+$0xFFFFFFE0] =	vst v61;
	v1 =	vadd.f32 $-1.000000000e+00, v1;
	v3 =	vadd.f32 v3, v3  }
.Ltmp1:
0x43: {  	v4 =	vadd.f32 v4, v4;
	[tilespmem:s22+$0xFFFFFFF0] =	vst v2;
	v0 =	vadd.f32 $-1.000000000e+00, v0;
	(pc) =	sbr.rel @p1 .LBB2_3-.Ltmp1, $4  }
0x44: {  	[tilespmem:s22+$0x0] =	vst v1;
	v62 =	vadd.f32 $-1.000000000e+00, v3  }
0x45: {  	v63 =	vadd.f32 $-1.000000000e+00, v4;
	[tilespmem:s22+$0x10] =	vst v0  }
0x46: {  	[tilespmem:s22+$0x20] =	vst v62  }
0x47: {  	s21 =	sadd.s32 $0x80, s21;
	[tilespmem:s22+$0xFFFFFFC0] =	vst v63  }
0x48: {  	s5 =	sshll.u32 s12, $0xD;
	s10 =	rddreg [dreg:$0x9]  }
0x49: {  	s5 =	sadd.s32 s5, s10  }
0x4a: {  	[hbm4b:s5+s4] =	stream.linear.scatter [tilespmem:s4], [sflag:$0x9], $0x2000, $0x38;
	[tilespmem:$0x10000] =	vst v63  }
0x4b: {  	_ =	swait.ge [sflag:s29], $0x2000  }
0x4c: {  	s25 =	sor.u32 $0x7, s20;
	s13 =	simm.s32 @!p0 $0x10;
	[sflag:s29] =	ssyncset.done $0x0  }
0x4d: {  	s14 =	sshll.u32 s12, $0x6;
	s22 =	simm.s32 $0x0;
	[sflag:s29] =	ssyncadd.s32 $0xFFFFE000  }
0x4e: {  	s21 =	sadd.s32 s14, s15;
	s5 =	sadd.s32 s11, s25;
	_ =	swait.ge @!p0 [sflag:s13], $0x2000  }
0x4f: {  	s23 =	sadd.s32 $0x8, s21;
	s10 =	sshll.u32 s5, $0xA;
	[sflag:s13] =	ssyncset.done @!p0 $0x0  }
0x50: {  	s5 =	sadd.s32 s2, s10;
	[sflag:s13] =	ssyncadd.s32 @!p0 $0xFFFFE000;
	s13 =	simm.s32 $0x2040  }
0x51: {  	[tilespmem:s30], [sflag:$0x8] =	stream.linear.gather [hbm4b:s5+s22], $0x2000, $0x38;
	[tilespmem:$0x10000] =	vst v63  }
.LBB2_7:
0x52: {  	v0 =	vld [tilespmem:s13+$0x30]  }
0x53: {  	v1 =	vld [tilespmem:s13+$0xFFFFFFD0]  }
0x54: {  	v2 =	vld [tilespmem:s13+$0xFFFFFFE0]  }
0x55: {  	v4 =	vld [tilespmem:s13+$0x0]  }
0x56: {  	v3 =	vld [tilespmem:s13+$0xFFFFFFF0];
	_ =	sdelay $0x1  }
0x57: {  	v5 =	vld [tilespmem:s13+$0x10];
	v0 =	vadd.f32 v0, v0  }
0x58: {  	v6 =	vld [tilespmem:s13+$0x20];
	v1 =	vadd.f32 v1, v1;
	v2 =	vadd.f32 v2, v2  }
0x59: {  	v7 =	vld [tilespmem:s13+$0xFFFFFFC0];
	s25 =	sadd.s32 $0x400, s13;
	v4 =	vadd.f32 v4, v4;
	v0 =	vadd.f32 $-1.000000000e+00, v0  }
0x5a: {  	v8 =	vld [tilespmem:s25+$0x30];
	v3 =	vadd.f32 v3, v3;
	v1 =	vadd.f32 $-1.000000000e+00, v1  }
0x5b: {  	v9 =	vld [tilespmem:s25+$0xFFFFFFD0];
	v10 =	vadd.f32 $-1.000000000e+00, v2;
	v4 =	vadd.f32 $-1.000000000e+00, v4;
	[tilespmem:s13+$0x30] =	vst v0  }
0x5c: {  	v11 =	vld [tilespmem:s25+$0xFFFFFFE0];
	[tilespmem:s13+$0xFFFFFFD0] =	vst v1;
	v0 =	vadd.f32 $-1.000000000e+00, v3;
	v3 =	vadd.f32 v5, v5  }
0x5d: {  	v2 =	vld [tilespmem:s25+$0xFFFFFFF0];
	[tilespmem:s13+$0xFFFFFFE0] =	vst v10;
	v5 =	vadd.f32 v6, v6  }
0x5e: {  	v7 =	vadd.f32 v7, v7;
	v1 =	vld [tilespmem:s25+$0x0];
	[tilespmem:s13+$0x0] =	vst v4;
	v10 =	vadd.f32 $-1.000000000e+00, v3  }
0x5f: {  	v12 =	vadd.f32 v8, v8;
	[tilespmem:s13+$0xFFFFFFF0] =	vst v0;
	v0 =	vld [tilespmem:s25+$0x10];
	v13 =	vadd.f32 $-1.000000000e+00, v5  }
0x60: {  	v7 =	vadd.f32 $-1.000000000e+00, v7;
	v6 =	vadd.f32 v9, v9;
	v3 =	vld [tilespmem:s25+$0x20];
	[tilespmem:s13+$0x10] =	vst v10  }
0x61: {  	s5 =	simm.s32 $0x8;
	s24 =	smov.u32 s13;
	s14 =	sadd.s32 $0x400, s25;
	v8 =	vadd.f32 v11, v11;
	v4 =	vld [tilespmem:s25+$0xFFFFFFC0];
	v5 =	vadd.f32 $-1.000000000e+00, v12;
	[tilespmem:s13+$0x20] =	vst v13  }
.LBB2_8:
0x62: {  	v9 =	vld [tilespmem:s14+$0x30];
	s5 =	sadd.s32 $0x8, s5;
	v6 =	vadd.f32 $-1.000000000e+00, v6;
	v2 =	vadd.f32 v2, v2;
	[tilespmem:s24+$0xFFFFFFC0] =	vst v7;
	s24 =	smov.u32 s25;
	s25 =	smov.u32 s14  }
0x63: {  	v7 =	vld [tilespmem:s14+$0xFFFFFFD0];
	p0 =	slt.u32 s5, $0x38;
	v8 =	vadd.f32 $-1.000000000e+00, v8;
	v1 =	vadd.f32 v1, v1;
	[tilespmem:s24+$0x30] =	vst v5  }
0x64: {  	v5 =	vld [tilespmem:s14+$0xFFFFFFE0];
	[tilespmem:s24+$0xFFFFFFD0] =	vst v6;
	v6 =	vadd.f32 $-1.000000000e+00, v2;
	v0 =	vadd.f32 v0, v0  }
.Ltmp2:
0x65: {  	v2 =	vld [tilespmem:s14+$0xFFFFFFF0];
	[tilespmem:s24+$0xFFFFFFE0] =	vst v8;
	v8 =	vadd.f32 $-1.000000000e+00, v1;
	v3 =	vadd.f32 v3, v3;
	(pc) =	sbr.rel @p0 .LBB2_8-.Ltmp2, $4  }
0x66: {  	v1 =	vld [tilespmem:s14+$0x0];
	v4 =	vadd.f32 v4, v4;
	[tilespmem:s24+$0xFFFFFFF0] =	vst v6;
	v10 =	vadd.f32 $-1.000000000e+00, v0  }
0x67: {  	v0 =	vld [tilespmem:s14+$0x10];
	v9 =	vadd.f32 v9, v9;
	[tilespmem:s24+$0x0] =	vst v8;
	v11 =	vadd.f32 $-1.000000000e+00, v3  }
0x68: {  	v6 =	vadd.f32 v7, v7;
	v3 =	vld [tilespmem:s14+$0x20];
	v7 =	vadd.f32 $-1.000000000e+00, v4;
	[tilespmem:s24+$0x10] =	vst v10  }
0x69: {  	s14 =	sadd.s32 $0x400, s14;
	v4 =	vld [tilespmem:s25+$0xFFFFFFC0];
	v8 =	vadd.f32 v5, v5;
	v5 =	vadd.f32 $-1.000000000e+00, v9;
	[tilespmem:s24+$0x20] =	vst v11  }
0x6a: {  	v6 =	vadd.f32 $-1.000000000e+00, v6;
	v2 =	vadd.f32 v2, v2;
	[tilespmem:s24+$0xFFFFFFC0] =	vst v7  }
0x6b: {  	v61 =	vadd.f32 $-1.000000000e+00, v8;
	v1 =	vadd.f32 v1, v1;
	[tilespmem:s25+$0x30] =	vst v5  }
0x6c: {  	s22 =	sadd.s32 $0x1, s22;
	[tilespmem:s25+$0xFFFFFFD0] =	vst v6;
	v2 =	vadd.f32 $-1.000000000e+00, v2;
	v0 =	vadd.f32 v0, v0  }
0x6d: {  	p0 =	sne.s32 s22, $0x8;
	[tilespmem:s25+$0xFFFFFFE0] =	vst v61;
	v1 =	vadd.f32 $-1.000000000e+00, v1;
	v3 =	vadd.f32 v3, v3  }
.Ltmp3:
0x6e: {  	v4 =	vadd.f32 v4, v4;
	[tilespmem:s25+$0xFFFFFFF0] =	vst v2;
	v0 =	vadd.f32 $-1.000000000e+00, v0;
	(pc) =	sbr.rel @p0 .LBB2_7-.Ltmp3, $4  }
0x6f: {  	[tilespmem:s25+$0x0] =	vst v1;
	v62 =	vadd.f32 $-1.000000000e+00, v3  }
0x70: {  	v63 =	vadd.f32 $-1.000000000e+00, v4;
	[tilespmem:s25+$0x10] =	vst v0  }
0x71: {  	[tilespmem:s25+$0x20] =	vst v62  }
0x72: {  	s13 =	sadd.s32 $0x80, s13;
	[tilespmem:s25+$0xFFFFFFC0] =	vst v63  }
0x73: {  	s5 =	sshll.u32 s23, $0x7  }
0x74: {  	s13 =	simm.s32 $0x2000;
	s5 =	sadd.s32 s3, s5  }
0x75: {  	[hbm4b:s5+s4] =	stream.linear.scatter [tilespmem:s13], [sflag:$0xA], $0x2000, $0x38;
	[tilespmem:$0x10000] =	vst v63  }
0x76: {  	p0 =	seq.s32 s12, $0x7;
	_ =	swait.ge [sflag:s31], $0x2000  }
0x77: {  	s22 =	sadd.s32 $0x10, s21;
	[sflag:s31] =	ssyncset.done $0x0;
	s13 =	rddreg [dreg:$0xa]  }
0x78: {  	s5 =	simm.s32 @!p0 $0x9;
	[sflag:s31] =	ssyncadd.s32 $0xFFFFE000;
	s13 =	sadd.s32 @!p0 s20, s13  }
0x79: {  	s23 =	simm.s32 $0x0;
	_ =	swait.ge @!p0 [sflag:s5], $0x2000;
	s13 =	sshll.u32 @!p0 s13, $0xA  }
0x7a: {  	s24 =	simm.s32 $0x4040;
	[sflag:s5] =	ssyncset.done @!p0 $0x0;
	s13 =	sand.u32 @!p0 $0x1FFFE000, s13  }
0x7b: {  	[sflag:s5] =	ssyncadd.s32 @!p0 $0xFFFFE000;
	s5 =	sadd.s32 @!p0 s2, s13;
	s13 =	simm.s32 @!p0 $0x0  }
0x7c: {  	[tilespmem:s13], [sflag:$0x1] =	stream.linear.gather @!p0 [hbm4b:s5+s13], $0x2000, $0x38;
	[tilespmem:$0x10000] =	vst v63  }
.LBB2_11:
0x7d: {  	v0 =	vld [tilespmem:s24+$0x30]  }
0x7e: {  	v1 =	vld [tilespmem:s24+$0xFFFFFFD0]  }
0x7f: {  	v2 =	vld [tilespmem:s24+$0xFFFFFFE0]  }
0x80: {  	v4 =	vld [tilespmem:s24+$0x0]  }
0x81: {  	v3 =	vld [tilespmem:s24+$0xFFFFFFF0];
	_ =	sdelay $0x1  }
0x82: {  	v5 =	vld [tilespmem:s24+$0x10];
	v0 =	vadd.f32 v0, v0  }
0x83: {  	v6 =	vld [tilespmem:s24+$0x20];
	v1 =	vadd.f32 v1, v1;
	v2 =	vadd.f32 v2, v2  }
0x84: {  	v7 =	vld [tilespmem:s24+$0xFFFFFFC0];
	s25 =	sadd.s32 $0x400, s24;
	v4 =	vadd.f32 v4, v4;
	v0 =	vadd.f32 $-1.000000000e+00, v0  }
0x85: {  	v8 =	vld [tilespmem:s25+$0x30];
	v3 =	vadd.f32 v3, v3;
	v1 =	vadd.f32 $-1.000000000e+00, v1  }
0x86: {  	v9 =	vld [tilespmem:s25+$0xFFFFFFD0];
	v10 =	vadd.f32 $-1.000000000e+00, v2;
	v4 =	vadd.f32 $-1.000000000e+00, v4;
	[tilespmem:s24+$0x30] =	vst v0  }
0x87: {  	v11 =	vld [tilespmem:s25+$0xFFFFFFE0];
	[tilespmem:s24+$0xFFFFFFD0] =	vst v1;
	v0 =	vadd.f32 $-1.000000000e+00, v3;
	v3 =	vadd.f32 v5, v5  }
0x88: {  	v2 =	vld [tilespmem:s25+$0xFFFFFFF0];
	[tilespmem:s24+$0xFFFFFFE0] =	vst v10;
	v5 =	vadd.f32 v6, v6  }
0x89: {  	v7 =	vadd.f32 v7, v7;
	v1 =	vld [tilespmem:s25+$0x0];
	[tilespmem:s24+$0x0] =	vst v4;
	v10 =	vadd.f32 $-1.000000000e+00, v3  }
0x8a: {  	v12 =	vadd.f32 v8, v8;
	[tilespmem:s24+$0xFFFFFFF0] =	vst v0;
	v0 =	vld [tilespmem:s25+$0x10];
	v13 =	vadd.f32 $-1.000000000e+00, v5  }
0x8b: {  	v7 =	vadd.f32 $-1.000000000e+00, v7;
	v6 =	vadd.f32 v9, v9;
	v3 =	vld [tilespmem:s25+$0x20];
	[tilespmem:s24+$0x10] =	vst v10  }
0x8c: {  	s5 =	simm.s32 $0x8;
	s13 =	smov.u32 s24;
	s14 =	sadd.s32 $0x400, s25;
	v8 =	vadd.f32 v11, v11;
	v4 =	vld [tilespmem:s25+$0xFFFFFFC0];
	v5 =	vadd.f32 $-1.000000000e+00, v12;
	[tilespmem:s24+$0x20] =	vst v13  }
.LBB2_12:
0x8d: {  	v9 =	vld [tilespmem:s14+$0x30];
	s5 =	sadd.s32 $0x8, s5;
	v6 =	vadd.f32 $-1.000000000e+00, v6;
	v2 =	vadd.f32 v2, v2;
	[tilespmem:s13+$0xFFFFFFC0] =	vst v7;
	s13 =	smov.u32 s25;
	s25 =	smov.u32 s14  }
0x8e: {  	v7 =	vld [tilespmem:s14+$0xFFFFFFD0];
	p1 =	slt.u32 s5, $0x38;
	v8 =	vadd.f32 $-1.000000000e+00, v8;
	v1 =	vadd.f32 v1, v1;
	[tilespmem:s13+$0x30] =	vst v5  }
0x8f: {  	v5 =	vld [tilespmem:s14+$0xFFFFFFE0];
	[tilespmem:s13+$0xFFFFFFD0] =	vst v6;
	v6 =	vadd.f32 $-1.000000000e+00, v2;
	v0 =	vadd.f32 v0, v0  }
.Ltmp4:
0x90: {  	v2 =	vld [tilespmem:s14+$0xFFFFFFF0];
	[tilespmem:s13+$0xFFFFFFE0] =	vst v8;
	v8 =	vadd.f32 $-1.000000000e+00, v1;
	v3 =	vadd.f32 v3, v3;
	(pc) =	sbr.rel @p1 .LBB2_12-.Ltmp4, $4  }
0x91: {  	v1 =	vld [tilespmem:s14+$0x0];
	v4 =	vadd.f32 v4, v4;
	[tilespmem:s13+$0xFFFFFFF0] =	vst v6;
	v10 =	vadd.f32 $-1.000000000e+00, v0  }
0x92: {  	v0 =	vld [tilespmem:s14+$0x10];
	v9 =	vadd.f32 v9, v9;
	[tilespmem:s13+$0x0] =	vst v8;
	v11 =	vadd.f32 $-1.000000000e+00, v3  }
0x93: {  	v6 =	vadd.f32 v7, v7;
	v3 =	vld [tilespmem:s14+$0x20];
	v7 =	vadd.f32 $-1.000000000e+00, v4;
	[tilespmem:s13+$0x10] =	vst v10  }
0x94: {  	s14 =	sadd.s32 $0x400, s14;
	v4 =	vld [tilespmem:s25+$0xFFFFFFC0];
	v8 =	vadd.f32 v5, v5;
	v5 =	vadd.f32 $-1.000000000e+00, v9;
	[tilespmem:s13+$0x20] =	vst v11  }
0x95: {  	v6 =	vadd.f32 $-1.000000000e+00, v6;
	v2 =	vadd.f32 v2, v2;
	[tilespmem:s13+$0xFFFFFFC0] =	vst v7  }
0x96: {  	v61 =	vadd.f32 $-1.000000000e+00, v8;
	v1 =	vadd.f32 v1, v1;
	[tilespmem:s25+$0x30] =	vst v5  }
0x97: {  	s23 =	sadd.s32 $0x1, s23;
	[tilespmem:s25+$0xFFFFFFD0] =	vst v6;
	v2 =	vadd.f32 $-1.000000000e+00, v2;
	v0 =	vadd.f32 v0, v0  }
0x98: {  	p1 =	sne.s32 s23, $0x8;
	[tilespmem:s25+$0xFFFFFFE0] =	vst v61;
	v1 =	vadd.f32 $-1.000000000e+00, v1;
	v3 =	vadd.f32 v3, v3  }
.Ltmp5:
0x99: {  	v4 =	vadd.f32 v4, v4;
	[tilespmem:s25+$0xFFFFFFF0] =	vst v2;
	v0 =	vadd.f32 $-1.000000000e+00, v0;
	(pc) =	sbr.rel @p1 .LBB2_11-.Ltmp5, $4  }
0x9a: {  	[tilespmem:s25+$0x0] =	vst v1;
	v62 =	vadd.f32 $-1.000000000e+00, v3  }
0x9b: {  	v63 =	vadd.f32 $-1.000000000e+00, v4;
	[tilespmem:s25+$0x10] =	vst v0  }
0x9c: {  	[tilespmem:s25+$0x20] =	vst v62  }
0x9d: {  	s24 =	sadd.s32 $0x80, s24;
	[tilespmem:s25+$0xFFFFFFC0] =	vst v63  }
0x9e: {  	s5 =	sshll.u32 s22, $0x7  }
0x9f: {  	s13 =	simm.s32 $0x4000;
	s5 =	sadd.s32 s3, s5  }
0xa0: {  	[hbm4b:s5+s4] =	stream.linear.scatter [tilespmem:s13], [sflag:$0xB], $0x2000, $0x38;
	[tilespmem:$0x10000] =	vst v63  }
0xa1: {  	_ =	swait.ge [sflag:s1], $0x2000  }
0xa2: {  	[sflag:s1] =	ssyncset.done $0x0  }
0xa3: {  	s5 =	simm.s32 @!p0 $0xA;
	[sflag:s1] =	ssyncadd.s32 $0xFFFFE000  }
0xa4: {  	_ =	swait.ge @!p0 [sflag:s5], $0x2000  }
0xa5: {  	s14 =	simm.s32 @!p0 $0x2000;
	s13 =	rddreg [dreg:$0xb]  }
0xa6: {  	s22 =	sadd.s32 $0x18, s21;
	[sflag:s5] =	ssyncset.done @!p0 $0x0;
	s13 =	sadd.s32 @!p0 s20, s13  }
0xa7: {  	s23 =	simm.s32 $0x0;
	[sflag:s5] =	ssyncadd.s32 @!p0 $0xFFFFE000;
	s5 =	sshll.u32 @!p0 s13, $0xA  }
0xa8: {  	s24 =	simm.s32 $0x6040;
	s13 =	simm.s32 @!p0 $0x0;
	s5 =	sadd.s32 @!p0 s2, s5  }
0xa9: {  	[tilespmem:s14], [sflag:$0x2] =	stream.linear.gather @!p0 [hbm4b:s5+s13], $0x2000, $0x38;
	[tilespmem:$0x10000] =	vst v63  }
.LBB2_15:
0xaa: {  	v0 =	vld [tilespmem:s24+$0x30]  }
0xab: {  	v1 =	vld [tilespmem:s24+$0xFFFFFFD0]  }
0xac: {  	v2 =	vld [tilespmem:s24+$0xFFFFFFE0]  }
0xad: {  	v4 =	vld [tilespmem:s24+$0x0]  }
0xae: {  	v3 =	vld [tilespmem:s24+$0xFFFFFFF0];
	_ =	sdelay $0x1  }
0xaf: {  	v5 =	vld [tilespmem:s24+$0x10];
	v0 =	vadd.f32 v0, v0  }
0xb0: {  	v6 =	vld [tilespmem:s24+$0x20];
	v1 =	vadd.f32 v1, v1;
	v2 =	vadd.f32 v2, v2  }
0xb1: {  	v7 =	vld [tilespmem:s24+$0xFFFFFFC0];
	s25 =	sadd.s32 $0x400, s24;
	v4 =	vadd.f32 v4, v4;
	v0 =	vadd.f32 $-1.000000000e+00, v0  }
0xb2: {  	v8 =	vld [tilespmem:s25+$0x30];
	v3 =	vadd.f32 v3, v3;
	v1 =	vadd.f32 $-1.000000000e+00, v1  }
0xb3: {  	v9 =	vld [tilespmem:s25+$0xFFFFFFD0];
	v10 =	vadd.f32 $-1.000000000e+00, v2;
	v4 =	vadd.f32 $-1.000000000e+00, v4;
	[tilespmem:s24+$0x30] =	vst v0  }
0xb4: {  	v11 =	vld [tilespmem:s25+$0xFFFFFFE0];
	[tilespmem:s24+$0xFFFFFFD0] =	vst v1;
	v0 =	vadd.f32 $-1.000000000e+00, v3;
	v3 =	vadd.f32 v5, v5  }
0xb5: {  	v2 =	vld [tilespmem:s25+$0xFFFFFFF0];
	[tilespmem:s24+$0xFFFFFFE0] =	vst v10;
	v5 =	vadd.f32 v6, v6  }
0xb6: {  	v7 =	vadd.f32 v7, v7;
	v1 =	vld [tilespmem:s25+$0x0];
	[tilespmem:s24+$0x0] =	vst v4;
	v10 =	vadd.f32 $-1.000000000e+00, v3  }
0xb7: {  	v12 =	vadd.f32 v8, v8;
	[tilespmem:s24+$0xFFFFFFF0] =	vst v0;
	v0 =	vld [tilespmem:s25+$0x10];
	v13 =	vadd.f32 $-1.000000000e+00, v5  }
0xb8: {  	v7 =	vadd.f32 $-1.000000000e+00, v7;
	v6 =	vadd.f32 v9, v9;
	v3 =	vld [tilespmem:s25+$0x20];
	[tilespmem:s24+$0x10] =	vst v10  }
0xb9: {  	s5 =	simm.s32 $0x8;
	s13 =	smov.u32 s24;
	s14 =	sadd.s32 $0x400, s25;
	v8 =	vadd.f32 v11, v11;
	v4 =	vld [tilespmem:s25+$0xFFFFFFC0];
	v5 =	vadd.f32 $-1.000000000e+00, v12;
	[tilespmem:s24+$0x20] =	vst v13  }
.LBB2_16:
0xba: {  	v9 =	vld [tilespmem:s14+$0x30];
	s5 =	sadd.s32 $0x8, s5;
	v6 =	vadd.f32 $-1.000000000e+00, v6;
	v2 =	vadd.f32 v2, v2;
	[tilespmem:s13+$0xFFFFFFC0] =	vst v7;
	s13 =	smov.u32 s25;
	s25 =	smov.u32 s14  }
0xbb: {  	v7 =	vld [tilespmem:s14+$0xFFFFFFD0];
	p1 =	slt.u32 s5, $0x38;
	v8 =	vadd.f32 $-1.000000000e+00, v8;
	v1 =	vadd.f32 v1, v1;
	[tilespmem:s13+$0x30] =	vst v5  }
0xbc: {  	v5 =	vld [tilespmem:s14+$0xFFFFFFE0];
	[tilespmem:s13+$0xFFFFFFD0] =	vst v6;
	v6 =	vadd.f32 $-1.000000000e+00, v2;
	v0 =	vadd.f32 v0, v0  }
.Ltmp6:
0xbd: {  	v2 =	vld [tilespmem:s14+$0xFFFFFFF0];
	[tilespmem:s13+$0xFFFFFFE0] =	vst v8;
	v8 =	vadd.f32 $-1.000000000e+00, v1;
	v3 =	vadd.f32 v3, v3;
	(pc) =	sbr.rel @p1 .LBB2_16-.Ltmp6, $4  }
0xbe: {  	v1 =	vld [tilespmem:s14+$0x0];
	v4 =	vadd.f32 v4, v4;
	[tilespmem:s13+$0xFFFFFFF0] =	vst v6;
	v10 =	vadd.f32 $-1.000000000e+00, v0  }
0xbf: {  	v0 =	vld [tilespmem:s14+$0x10];
	v9 =	vadd.f32 v9, v9;
	[tilespmem:s13+$0x0] =	vst v8;
	v11 =	vadd.f32 $-1.000000000e+00, v3  }
0xc0: {  	v6 =	vadd.f32 v7, v7;
	v3 =	vld [tilespmem:s14+$0x20];
	v7 =	vadd.f32 $-1.000000000e+00, v4;
	[tilespmem:s13+$0x10] =	vst v10  }
0xc1: {  	s14 =	sadd.s32 $0x400, s14;
	v4 =	vld [tilespmem:s25+$0xFFFFFFC0];
	v8 =	vadd.f32 v5, v5;
	v5 =	vadd.f32 $-1.000000000e+00, v9;
	[tilespmem:s13+$0x20] =	vst v11  }
0xc2: {  	v6 =	vadd.f32 $-1.000000000e+00, v6;
	v2 =	vadd.f32 v2, v2;
	[tilespmem:s13+$0xFFFFFFC0] =	vst v7  }
0xc3: {  	v61 =	vadd.f32 $-1.000000000e+00, v8;
	v1 =	vadd.f32 v1, v1;
	[tilespmem:s25+$0x30] =	vst v5  }
0xc4: {  	s23 =	sadd.s32 $0x1, s23;
	[tilespmem:s25+$0xFFFFFFD0] =	vst v6;
	v2 =	vadd.f32 $-1.000000000e+00, v2;
	v0 =	vadd.f32 v0, v0  }
0xc5: {  	p1 =	sne.s32 s23, $0x8;
	[tilespmem:s25+$0xFFFFFFE0] =	vst v61;
	v1 =	vadd.f32 $-1.000000000e+00, v1;
	v3 =	vadd.f32 v3, v3  }
.Ltmp7:
0xc6: {  	v4 =	vadd.f32 v4, v4;
	[tilespmem:s25+$0xFFFFFFF0] =	vst v2;
	v0 =	vadd.f32 $-1.000000000e+00, v0;
	(pc) =	sbr.rel @p1 .LBB2_15-.Ltmp7, $4  }
0xc7: {  	[tilespmem:s25+$0x0] =	vst v1;
	v62 =	vadd.f32 $-1.000000000e+00, v3  }
0xc8: {  	v63 =	vadd.f32 $-1.000000000e+00, v4;
	[tilespmem:s25+$0x10] =	vst v0  }
0xc9: {  	[tilespmem:s25+$0x20] =	vst v62  }
0xca: {  	s24 =	sadd.s32 $0x80, s24;
	[tilespmem:s25+$0xFFFFFFC0] =	vst v63  }
0xcb: {  	s5 =	sshll.u32 s22, $0x7  }
0xcc: {  	s13 =	simm.s32 $0x6000;
	s5 =	sadd.s32 s3, s5  }
0xcd: {  	[hbm4b:s5+s4] =	stream.linear.scatter [tilespmem:s13], [sflag:$0xC], $0x2000, $0x38;
	[tilespmem:$0x10000] =	vst v63  }
0xce: {  	_ =	swait.ge [sflag:s0], $0x2000  }
0xcf: {  	[sflag:s0] =	ssyncset.done $0x0  }
0xd0: {  	s5 =	simm.s32 @!p0 $0xB;
	[sflag:s0] =	ssyncadd.s32 $0xFFFFE000  }
0xd1: {  	s14 =	simm.s32 @!p0 $0x4000;
	s13 =	sadd.s32 @!p0 s20, s16;
	_ =	swait.ge @!p0 [sflag:s5], $0x2000  }
0xd2: {  	s22 =	sadd.s32 $0x20, s21;
	s13 =	sshll.u32 @!p0 s13, $0xA;
	[sflag:s5] =	ssyncset.done @!p0 $0x0  }
0xd3: {  	s23 =	simm.s32 $0x0;
	[sflag:s5] =	ssyncadd.s32 @!p0 $0xFFFFE000;
	s5 =	sand.u32 @!p0 $0x1FFFE800, s13  }
0xd4: {  	s24 =	simm.s32 $0x8040;
	s13 =	simm.s32 @!p0 $0x0;
	s5 =	sadd.s32 @!p0 s2, s5  }
0xd5: {  	[tilespmem:s14], [sflag:$0x3] =	stream.linear.gather @!p0 [hbm4b:s5+s13], $0x2000, $0x38;
	[tilespmem:$0x10000] =	vst v63  }
.LBB2_19:
0xd6: {  	v0 =	vld [tilespmem:s24+$0x30]  }
0xd7: {  	v1 =	vld [tilespmem:s24+$0xFFFFFFD0]  }
0xd8: {  	v2 =	vld [tilespmem:s24+$0xFFFFFFE0]  }
0xd9: {  	v4 =	vld [tilespmem:s24+$0x0]  }
0xda: {  	v3 =	vld [tilespmem:s24+$0xFFFFFFF0];
	_ =	sdelay $0x1  }
0xdb: {  	v5 =	vld [tilespmem:s24+$0x10];
	v0 =	vadd.f32 v0, v0  }
0xdc: {  	v6 =	vld [tilespmem:s24+$0x20];
	v1 =	vadd.f32 v1, v1;
	v2 =	vadd.f32 v2, v2  }
0xdd: {  	v7 =	vld [tilespmem:s24+$0xFFFFFFC0];
	s25 =	sadd.s32 $0x400, s24;
	v4 =	vadd.f32 v4, v4;
	v0 =	vadd.f32 $-1.000000000e+00, v0  }
0xde: {  	v8 =	vld [tilespmem:s25+$0x30];
	v3 =	vadd.f32 v3, v3;
	v1 =	vadd.f32 $-1.000000000e+00, v1  }
0xdf: {  	v9 =	vld [tilespmem:s25+$0xFFFFFFD0];
	v10 =	vadd.f32 $-1.000000000e+00, v2;
	v4 =	vadd.f32 $-1.000000000e+00, v4;
	[tilespmem:s24+$0x30] =	vst v0  }
0xe0: {  	v11 =	vld [tilespmem:s25+$0xFFFFFFE0];
	[tilespmem:s24+$0xFFFFFFD0] =	vst v1;
	v0 =	vadd.f32 $-1.000000000e+00, v3;
	v3 =	vadd.f32 v5, v5  }
0xe1: {  	v2 =	vld [tilespmem:s25+$0xFFFFFFF0];
	[tilespmem:s24+$0xFFFFFFE0] =	vst v10;
	v5 =	vadd.f32 v6, v6  }
0xe2: {  	v7 =	vadd.f32 v7, v7;
	v1 =	vld [tilespmem:s25+$0x0];
	[tilespmem:s24+$0x0] =	vst v4;
	v10 =	vadd.f32 $-1.000000000e+00, v3  }
0xe3: {  	v12 =	vadd.f32 v8, v8;
	[tilespmem:s24+$0xFFFFFFF0] =	vst v0;
	v0 =	vld [tilespmem:s25+$0x10];
	v13 =	vadd.f32 $-1.000000000e+00, v5  }
0xe4: {  	v7 =	vadd.f32 $-1.000000000e+00, v7;
	v6 =	vadd.f32 v9, v9;
	v3 =	vld [tilespmem:s25+$0x20];
	[tilespmem:s24+$0x10] =	vst v10  }
0xe5: {  	s5 =	simm.s32 $0x8;
	s13 =	smov.u32 s24;
	s14 =	sadd.s32 $0x400, s25;
	v8 =	vadd.f32 v11, v11;
	v4 =	vld [tilespmem:s25+$0xFFFFFFC0];
	v5 =	vadd.f32 $-1.000000000e+00, v12;
	[tilespmem:s24+$0x20] =	vst v13  }
.LBB2_20:
0xe6: {  	v9 =	vld [tilespmem:s14+$0x30];
	s5 =	sadd.s32 $0x8, s5;
	v6 =	vadd.f32 $-1.000000000e+00, v6;
	v2 =	vadd.f32 v2, v2;
	[tilespmem:s13+$0xFFFFFFC0] =	vst v7;
	s13 =	smov.u32 s25;
	s25 =	smov.u32 s14  }
0xe7: {  	v7 =	vld [tilespmem:s14+$0xFFFFFFD0];
	p1 =	slt.u32 s5, $0x38;
	v8 =	vadd.f32 $-1.000000000e+00, v8;
	v1 =	vadd.f32 v1, v1;
	[tilespmem:s13+$0x30] =	vst v5  }
0xe8: {  	v5 =	vld [tilespmem:s14+$0xFFFFFFE0];
	[tilespmem:s13+$0xFFFFFFD0] =	vst v6;
	v6 =	vadd.f32 $-1.000000000e+00, v2;
	v0 =	vadd.f32 v0, v0  }
.Ltmp8:
0xe9: {  	v2 =	vld [tilespmem:s14+$0xFFFFFFF0];
	[tilespmem:s13+$0xFFFFFFE0] =	vst v8;
	v8 =	vadd.f32 $-1.000000000e+00, v1;
	v3 =	vadd.f32 v3, v3;
	(pc) =	sbr.rel @p1 .LBB2_20-.Ltmp8, $4  }
0xea: {  	v1 =	vld [tilespmem:s14+$0x0];
	v4 =	vadd.f32 v4, v4;
	[tilespmem:s13+$0xFFFFFFF0] =	vst v6;
	v10 =	vadd.f32 $-1.000000000e+00, v0  }
0xeb: {  	v0 =	vld [tilespmem:s14+$0x10];
	v9 =	vadd.f32 v9, v9;
	[tilespmem:s13+$0x0] =	vst v8;
	v11 =	vadd.f32 $-1.000000000e+00, v3  }
0xec: {  	v6 =	vadd.f32 v7, v7;
	v3 =	vld [tilespmem:s14+$0x20];
	v7 =	vadd.f32 $-1.000000000e+00, v4;
	[tilespmem:s13+$0x10] =	vst v10  }
0xed: {  	s14 =	sadd.s32 $0x400, s14;
	v4 =	vld [tilespmem:s25+$0xFFFFFFC0];
	v8 =	vadd.f32 v5, v5;
	v5 =	vadd.f32 $-1.000000000e+00, v9;
	[tilespmem:s13+$0x20] =	vst v11  }
0xee: {  	v6 =	vadd.f32 $-1.000000000e+00, v6;
	v2 =	vadd.f32 v2, v2;
	[tilespmem:s13+$0xFFFFFFC0] =	vst v7  }
0xef: {  	v61 =	vadd.f32 $-1.000000000e+00, v8;
	v1 =	vadd.f32 v1, v1;
	[tilespmem:s25+$0x30] =	vst v5  }
0xf0: {  	s23 =	sadd.s32 $0x1, s23;
	[tilespmem:s25+$0xFFFFFFD0] =	vst v6;
	v2 =	vadd.f32 $-1.000000000e+00, v2;
	v0 =	vadd.f32 v0, v0  }
0xf1: {  	p1 =	sne.s32 s23, $0x8;
	[tilespmem:s25+$0xFFFFFFE0] =	vst v61;
	v1 =	vadd.f32 $-1.000000000e+00, v1;
	v3 =	vadd.f32 v3, v3  }
.Ltmp9:
0xf2: {  	v4 =	vadd.f32 v4, v4;
	[tilespmem:s25+$0xFFFFFFF0] =	vst v2;
	v0 =	vadd.f32 $-1.000000000e+00, v0;
	(pc) =	sbr.rel @p1 .LBB2_19-.Ltmp9, $4  }
0xf3: {  	[tilespmem:s25+$0x0] =	vst v1;
	v62 =	vadd.f32 $-1.000000000e+00, v3  }
0xf4: {  	v63 =	vadd.f32 $-1.000000000e+00, v4;
	[tilespmem:s25+$0x10] =	vst v0  }
0xf5: {  	[tilespmem:s25+$0x20] =	vst v62  }
0xf6: {  	s24 =	sadd.s32 $0x80, s24;
	[tilespmem:s25+$0xFFFFFFC0] =	vst v63  }
0xf7: {  	s5 =	sshll.u32 s22, $0x7  }
0xf8: {  	s13 =	simm.s32 $0x8000;
	s5 =	sadd.s32 s3, s5  }
0xf9: {  	[hbm4b:s5+s4] =	stream.linear.scatter [tilespmem:s13], [sflag:$0xD], $0x2000, $0x38;
	[tilespmem:$0x10000] =	vst v63  }
0xfa: {  	_ =	swait.ge [sflag:s7], $0x2000  }
0xfb: {  	[sflag:s7] =	ssyncset.done $0x0  }
0xfc: {  	s5 =	simm.s32 @!p0 $0xC;
	[sflag:s7] =	ssyncadd.s32 $0xFFFFE000  }
0xfd: {  	s14 =	simm.s32 @!p0 $0x6000;
	_ =	swait.ge @!p0 [sflag:s5], $0x2000  }
0xfe: {  	s21 =	sadd.s32 $0x28, s21;
	s13 =	sadd.s32 @!p0 s20, s17;
	[sflag:s5] =	ssyncset.done @!p0 $0x0  }
0xff: {  	s22 =	simm.s32 $0x0;
	[sflag:s5] =	ssyncadd.s32 @!p0 $0xFFFFE000;
	s5 =	sshll.u32 @!p0 s13, $0xA  }
0x100: {  	s23 =	simm.s32 $0xA040;
	s13 =	simm.s32 @!p0 $0x0;
	s5 =	sadd.s32 @!p0 s2, s5  }
0x101: {  	[tilespmem:s14], [sflag:$0x4] =	stream.linear.gather @!p0 [hbm4b:s5+s13], $0x2000, $0x38;
	[tilespmem:$0x10000] =	vst v63  }
.LBB2_23:
0x102: {  	v0 =	vld [tilespmem:s23+$0x30]  }
0x103: {  	v1 =	vld [tilespmem:s23+$0xFFFFFFD0]  }
0x104: {  	v2 =	vld [tilespmem:s23+$0xFFFFFFE0]  }
0x105: {  	v4 =	vld [tilespmem:s23+$0x0]  }
0x106: {  	v3 =	vld [tilespmem:s23+$0xFFFFFFF0];
	_ =	sdelay $0x1  }
0x107: {  	v5 =	vld [tilespmem:s23+$0x10];
	v0 =	vadd.f32 v0, v0  }
0x108: {  	v6 =	vld [tilespmem:s23+$0x20];
	v1 =	vadd.f32 v1, v1;
	v2 =	vadd.f32 v2, v2  }
0x109: {  	v7 =	vld [tilespmem:s23+$0xFFFFFFC0];
	s24 =	sadd.s32 $0x400, s23;
	v4 =	vadd.f32 v4, v4;
	v0 =	vadd.f32 $-1.000000000e+00, v0  }
0x10a: {  	v8 =	vld [tilespmem:s24+$0x30];
	v3 =	vadd.f32 v3, v3;
	v1 =	vadd.f32 $-1.000000000e+00, v1  }
0x10b: {  	v9 =	vld [tilespmem:s24+$0xFFFFFFD0];
	v10 =	vadd.f32 $-1.000000000e+00, v2;
	v4 =	vadd.f32 $-1.000000000e+00, v4;
	[tilespmem:s23+$0x30] =	vst v0  }
0x10c: {  	v11 =	vld [tilespmem:s24+$0xFFFFFFE0];
	[tilespmem:s23+$0xFFFFFFD0] =	vst v1;
	v0 =	vadd.f32 $-1.000000000e+00, v3;
	v3 =	vadd.f32 v5, v5  }
0x10d: {  	v2 =	vld [tilespmem:s24+$0xFFFFFFF0];
	[tilespmem:s23+$0xFFFFFFE0] =	vst v10;
	v5 =	vadd.f32 v6, v6  }
0x10e: {  	v7 =	vadd.f32 v7, v7;
	v1 =	vld [tilespmem:s24+$0x0];
	[tilespmem:s23+$0x0] =	vst v4;
	v10 =	vadd.f32 $-1.000000000e+00, v3  }
0x10f: {  	v12 =	vadd.f32 v8, v8;
	[tilespmem:s23+$0xFFFFFFF0] =	vst v0;
	v0 =	vld [tilespmem:s24+$0x10];
	v13 =	vadd.f32 $-1.000000000e+00, v5  }
0x110: {  	v7 =	vadd.f32 $-1.000000000e+00, v7;
	v6 =	vadd.f32 v9, v9;
	v3 =	vld [tilespmem:s24+$0x20];
	[tilespmem:s23+$0x10] =	vst v10  }
0x111: {  	s5 =	simm.s32 $0x8;
	s13 =	smov.u32 s23;
	s14 =	sadd.s32 $0x400, s24;
	v8 =	vadd.f32 v11, v11;
	v4 =	vld [tilespmem:s24+$0xFFFFFFC0];
	v5 =	vadd.f32 $-1.000000000e+00, v12;
	[tilespmem:s23+$0x20] =	vst v13  }
.LBB2_24:
0x112: {  	v9 =	vld [tilespmem:s14+$0x30];
	s5 =	sadd.s32 $0x8, s5;
	v6 =	vadd.f32 $-1.000000000e+00, v6;
	v2 =	vadd.f32 v2, v2;
	[tilespmem:s13+$0xFFFFFFC0] =	vst v7;
	s13 =	smov.u32 s24;
	s24 =	smov.u32 s14  }
0x113: {  	v7 =	vld [tilespmem:s14+$0xFFFFFFD0];
	p1 =	slt.u32 s5, $0x38;
	v8 =	vadd.f32 $-1.000000000e+00, v8;
	v1 =	vadd.f32 v1, v1;
	[tilespmem:s13+$0x30] =	vst v5  }
0x114: {  	v5 =	vld [tilespmem:s14+$0xFFFFFFE0];
	[tilespmem:s13+$0xFFFFFFD0] =	vst v6;
	v6 =	vadd.f32 $-1.000000000e+00, v2;
	v0 =	vadd.f32 v0, v0  }
.Ltmp10:
0x115: {  	v2 =	vld [tilespmem:s14+$0xFFFFFFF0];
	[tilespmem:s13+$0xFFFFFFE0] =	vst v8;
	v8 =	vadd.f32 $-1.000000000e+00, v1;
	v3 =	vadd.f32 v3, v3;
	(pc) =	sbr.rel @p1 .LBB2_24-.Ltmp10, $4  }
0x116: {  	v1 =	vld [tilespmem:s14+$0x0];
	v4 =	vadd.f32 v4, v4;
	[tilespmem:s13+$0xFFFFFFF0] =	vst v6;
	v10 =	vadd.f32 $-1.000000000e+00, v0  }
0x117: {  	v0 =	vld [tilespmem:s14+$0x10];
	v9 =	vadd.f32 v9, v9;
	[tilespmem:s13+$0x0] =	vst v8;
	v11 =	vadd.f32 $-1.000000000e+00, v3  }
0x118: {  	v6 =	vadd.f32 v7, v7;
	v3 =	vld [tilespmem:s14+$0x20];
	v7 =	vadd.f32 $-1.000000000e+00, v4;
	[tilespmem:s13+$0x10] =	vst v10  }
0x119: {  	s14 =	sadd.s32 $0x400, s14;
	v4 =	vld [tilespmem:s24+$0xFFFFFFC0];
	v8 =	vadd.f32 v5, v5;
	v5 =	vadd.f32 $-1.000000000e+00, v9;
	[tilespmem:s13+$0x20] =	vst v11  }
0x11a: {  	v6 =	vadd.f32 $-1.000000000e+00, v6;
	v2 =	vadd.f32 v2, v2;
	[tilespmem:s13+$0xFFFFFFC0] =	vst v7  }
0x11b: {  	v61 =	vadd.f32 $-1.000000000e+00, v8;
	v1 =	vadd.f32 v1, v1;
	[tilespmem:s24+$0x30] =	vst v5  }
0x11c: {  	s22 =	sadd.s32 $0x1, s22;
	[tilespmem:s24+$0xFFFFFFD0] =	vst v6;
	v2 =	vadd.f32 $-1.000000000e+00, v2;
	v0 =	vadd.f32 v0, v0  }
0x11d: {  	p1 =	sne.s32 s22, $0x8;
	[tilespmem:s24+$0xFFFFFFE0] =	vst v61;
	v1 =	vadd.f32 $-1.000000000e+00, v1;
	v3 =	vadd.f32 v3, v3  }
.Ltmp11:
0x11e: {  	v4 =	vadd.f32 v4, v4;
	[tilespmem:s24+$0xFFFFFFF0] =	vst v2;
	v0 =	vadd.f32 $-1.000000000e+00, v0;
	(pc) =	sbr.rel @p1 .LBB2_23-.Ltmp11, $4  }
0x11f: {  	[tilespmem:s24+$0x0] =	vst v1;
	v62 =	vadd.f32 $-1.000000000e+00, v3  }
0x120: {  	v63 =	vadd.f32 $-1.000000000e+00, v4;
	[tilespmem:s24+$0x10] =	vst v0  }
0x121: {  	[tilespmem:s24+$0x20] =	vst v62  }
0x122: {  	s23 =	sadd.s32 $0x80, s23;
	[tilespmem:s24+$0xFFFFFFC0] =	vst v63  }
0x123: {  	s5 =	sshll.u32 s21, $0x7  }
0x124: {  	s13 =	simm.s32 $0xA000;
	s5 =	sadd.s32 s3, s5  }
0x125: {  	[hbm4b:s5+s4] =	stream.linear.scatter [tilespmem:s13], [sflag:$0xE], $0x2000, $0x38;
	[tilespmem:$0x10000] =	vst v63  }
0x126: {  	_ =	swait.ge [sflag:s8], $0x2000  }
0x127: {  	[sflag:s8] =	ssyncset.done $0x0  }
0x128: {  	s5 =	simm.s32 @!p0 $0xD;
	[sflag:s8] =	ssyncadd.s32 $0xFFFFE000  }
0x129: {  	s13 =	sadd.s32 @!p0 s20, s18;
	_ =	swait.ge @!p0 [sflag:s5], $0x2000  }
0x12a: {  	s14 =	simm.s32 @!p0 $0x8000;
	s13 =	sshll.u32 @!p0 s13, $0xA;
	[sflag:s5] =	ssyncset.done @!p0 $0x0  }
0x12b: {  	s21 =	simm.s32 $0x0;
	[sflag:s5] =	ssyncadd.s32 @!p0 $0xFFFFE000;
	s5 =	sand.u32 @!p0 $0x1FFFF000, s13  }
0x12c: {  	s22 =	simm.s32 $0xC040;
	s13 =	simm.s32 @!p0 $0x0;
	s5 =	sadd.s32 @!p0 s2, s5  }
0x12d: {  	[tilespmem:s14], [sflag:$0x5] =	stream.linear.gather @!p0 [hbm4b:s5+s13], $0x2000, $0x38;
	[tilespmem:$0x10000] =	vst v63  }
.LBB2_27:
0x12e: {  	v0 =	vld [tilespmem:s22+$0x30]  }
0x12f: {  	v1 =	vld [tilespmem:s22+$0xFFFFFFD0]  }
0x130: {  	v2 =	vld [tilespmem:s22+$0xFFFFFFE0]  }
0x131: {  	v4 =	vld [tilespmem:s22+$0x0]  }
0x132: {  	v3 =	vld [tilespmem:s22+$0xFFFFFFF0];
	_ =	sdelay $0x1  }
0x133: {  	v5 =	vld [tilespmem:s22+$0x10];
	v0 =	vadd.f32 v0, v0  }
0x134: {  	v6 =	vld [tilespmem:s22+$0x20];
	v1 =	vadd.f32 v1, v1;
	v2 =	vadd.f32 v2, v2  }
0x135: {  	v7 =	vld [tilespmem:s22+$0xFFFFFFC0];
	s23 =	sadd.s32 $0x400, s22;
	v4 =	vadd.f32 v4, v4;
	v0 =	vadd.f32 $-1.000000000e+00, v0  }
0x136: {  	v8 =	vld [tilespmem:s23+$0x30];
	v3 =	vadd.f32 v3, v3;
	v1 =	vadd.f32 $-1.000000000e+00, v1  }
0x137: {  	v9 =	vld [tilespmem:s23+$0xFFFFFFD0];
	v10 =	vadd.f32 $-1.000000000e+00, v2;
	v4 =	vadd.f32 $-1.000000000e+00, v4;
	[tilespmem:s22+$0x30] =	vst v0  }
0x138: {  	v11 =	vld [tilespmem:s23+$0xFFFFFFE0];
	[tilespmem:s22+$0xFFFFFFD0] =	vst v1;
	v0 =	vadd.f32 $-1.000000000e+00, v3;
	v3 =	vadd.f32 v5, v5  }
0x139: {  	v2 =	vld [tilespmem:s23+$0xFFFFFFF0];
	[tilespmem:s22+$0xFFFFFFE0] =	vst v10;
	v5 =	vadd.f32 v6, v6  }
0x13a: {  	v7 =	vadd.f32 v7, v7;
	v1 =	vld [tilespmem:s23+$0x0];
	[tilespmem:s22+$0x0] =	vst v4;
	v10 =	vadd.f32 $-1.000000000e+00, v3  }
0x13b: {  	v12 =	vadd.f32 v8, v8;
	[tilespmem:s22+$0xFFFFFFF0] =	vst v0;
	v0 =	vld [tilespmem:s23+$0x10];
	v13 =	vadd.f32 $-1.000000000e+00, v5  }
0x13c: {  	v7 =	vadd.f32 $-1.000000000e+00, v7;
	v6 =	vadd.f32 v9, v9;
	v3 =	vld [tilespmem:s23+$0x20];
	[tilespmem:s22+$0x10] =	vst v10  }
0x13d: {  	s5 =	simm.s32 $0x8;
	s13 =	smov.u32 s22;
	s14 =	sadd.s32 $0x400, s23;
	v8 =	vadd.f32 v11, v11;
	v4 =	vld [tilespmem:s23+$0xFFFFFFC0];
	v5 =	vadd.f32 $-1.000000000e+00, v12;
	[tilespmem:s22+$0x20] =	vst v13  }
.LBB2_28:
0x13e: {  	v9 =	vld [tilespmem:s14+$0x30];
	s5 =	sadd.s32 $0x8, s5;
	v6 =	vadd.f32 $-1.000000000e+00, v6;
	v2 =	vadd.f32 v2, v2;
	[tilespmem:s13+$0xFFFFFFC0] =	vst v7;
	s13 =	smov.u32 s23;
	s23 =	smov.u32 s14  }
0x13f: {  	v7 =	vld [tilespmem:s14+$0xFFFFFFD0];
	p1 =	slt.u32 s5, $0x38;
	v8 =	vadd.f32 $-1.000000000e+00, v8;
	v1 =	vadd.f32 v1, v1;
	[tilespmem:s13+$0x30] =	vst v5  }
0x140: {  	v5 =	vld [tilespmem:s14+$0xFFFFFFE0];
	[tilespmem:s13+$0xFFFFFFD0] =	vst v6;
	v6 =	vadd.f32 $-1.000000000e+00, v2;
	v0 =	vadd.f32 v0, v0  }
.Ltmp12:
0x141: {  	v2 =	vld [tilespmem:s14+$0xFFFFFFF0];
	[tilespmem:s13+$0xFFFFFFE0] =	vst v8;
	v8 =	vadd.f32 $-1.000000000e+00, v1;
	v3 =	vadd.f32 v3, v3;
	(pc) =	sbr.rel @p1 .LBB2_28-.Ltmp12, $4  }
0x142: {  	v1 =	vld [tilespmem:s14+$0x0];
	v4 =	vadd.f32 v4, v4;
	[tilespmem:s13+$0xFFFFFFF0] =	vst v6;
	v10 =	vadd.f32 $-1.000000000e+00, v0  }
0x143: {  	v0 =	vld [tilespmem:s14+$0x10];
	v9 =	vadd.f32 v9, v9;
	[tilespmem:s13+$0x0] =	vst v8;
	v11 =	vadd.f32 $-1.000000000e+00, v3  }
0x144: {  	v6 =	vadd.f32 v7, v7;
	v3 =	vld [tilespmem:s14+$0x20];
	v7 =	vadd.f32 $-1.000000000e+00, v4;
	[tilespmem:s13+$0x10] =	vst v10  }
0x145: {  	s14 =	sadd.s32 $0x400, s14;
	v4 =	vld [tilespmem:s23+$0xFFFFFFC0];
	v8 =	vadd.f32 v5, v5;
	v5 =	vadd.f32 $-1.000000000e+00, v9;
	[tilespmem:s13+$0x20] =	vst v11  }
0x146: {  	v6 =	vadd.f32 $-1.000000000e+00, v6;
	v2 =	vadd.f32 v2, v2;
	[tilespmem:s13+$0xFFFFFFC0] =	vst v7  }
0x147: {  	v61 =	vadd.f32 $-1.000000000e+00, v8;
	v1 =	vadd.f32 v1, v1;
	[tilespmem:s23+$0x30] =	vst v5  }
0x148: {  	s21 =	sadd.s32 $0x1, s21;
	[tilespmem:s23+$0xFFFFFFD0] =	vst v6;
	v2 =	vadd.f32 $-1.000000000e+00, v2;
	v0 =	vadd.f32 v0, v0  }
0x149: {  	p1 =	sne.s32 s21, $0x8;
	[tilespmem:s23+$0xFFFFFFE0] =	vst v61;
	v1 =	vadd.f32 $-1.000000000e+00, v1;
	v3 =	vadd.f32 v3, v3  }
.Ltmp13:
0x14a: {  	v4 =	vadd.f32 v4, v4;
	[tilespmem:s23+$0xFFFFFFF0] =	vst v2;
	v0 =	vadd.f32 $-1.000000000e+00, v0;
	(pc) =	sbr.rel @p1 .LBB2_27-.Ltmp13, $4  }
0x14b: {  	[tilespmem:s23+$0x0] =	vst v1;
	v62 =	vadd.f32 $-1.000000000e+00, v3  }
0x14c: {  	v63 =	vadd.f32 $-1.000000000e+00, v4;
	[tilespmem:s23+$0x10] =	vst v0  }
0x14d: {  	[tilespmem:s23+$0x20] =	vst v62  }
0x14e: {  	s22 =	sadd.s32 $0x80, s22;
	[tilespmem:s23+$0xFFFFFFC0] =	vst v63  }
0x14f: {  	s5 =	sadd.s32 s3, s6  }
0x150: {  	[hbm4b:s5+s4] =	stream.linear.scatter [tilespmem:s28], [sflag:$0xF], $0x2000, $0x38;
	[tilespmem:$0x10000] =	vst v63  }
0x151: {  	_ =	swait.ge [sflag:s9], $0x2000  }
0x152: {  	[sflag:s9] =	ssyncset.done $0x0  }
0x153: {  	s5 =	simm.s32 @!p0 $0xE;
	[sflag:s9] =	ssyncadd.s32 $0xFFFFE000  }
0x154: {  	_ =	swait.ge @!p0 [sflag:s5], $0x2000  }
0x155: {  	s6 =	sadd.s32 @!p0 s20, s19;
	[sflag:s5] =	ssyncset.done @!p0 $0x0  }
0x156: {  	[sflag:s5] =	ssyncadd.s32 @!p0 $0xFFFFE000;
	s5 =	sshll.u32 @!p0 s6, $0xA  }
0x157: {  	s13 =	simm.s32 @!p0 $0xA000;
	s6 =	simm.s32 @!p0 $0x0;
	s5 =	sadd.s32 @!p0 s2, s5  }
0x158: {  	[tilespmem:s13], [sflag:$0x6] =	stream.linear.gather @!p0 [hbm4b:s5+s6], $0x2000, $0x38;
	[tilespmem:$0x10000] =	vst v63  }
0x159: {  	s20 =	simm.s32 $0xE040;
	s6 =	simm.s32 $0x0  }
.LBB2_31:
0x15a: {  	v0 =	vld [tilespmem:s20+$0x30]  }
0x15b: {  	v1 =	vld [tilespmem:s20+$0xFFFFFFD0]  }
0x15c: {  	v2 =	vld [tilespmem:s20+$0xFFFFFFE0]  }
0x15d: {  	v4 =	vld [tilespmem:s20+$0x0]  }
0x15e: {  	v3 =	vld [tilespmem:s20+$0xFFFFFFF0];
	_ =	sdelay $0x1  }
0x15f: {  	v5 =	vld [tilespmem:s20+$0x10];
	v0 =	vadd.f32 v0, v0  }
0x160: {  	v6 =	vld [tilespmem:s20+$0x20];
	v1 =	vadd.f32 v1, v1;
	v2 =	vadd.f32 v2, v2  }
0x161: {  	v7 =	vld [tilespmem:s20+$0xFFFFFFC0];
	s21 =	sadd.s32 $0x400, s20;
	v4 =	vadd.f32 v4, v4;
	v0 =	vadd.f32 $-1.000000000e+00, v0  }
0x162: {  	v8 =	vld [tilespmem:s21+$0x30];
	v3 =	vadd.f32 v3, v3;
	v1 =	vadd.f32 $-1.000000000e+00, v1  }
0x163: {  	v9 =	vld [tilespmem:s21+$0xFFFFFFD0];
	v10 =	vadd.f32 $-1.000000000e+00, v2;
	v4 =	vadd.f32 $-1.000000000e+00, v4;
	[tilespmem:s20+$0x30] =	vst v0  }
0x164: {  	v11 =	vld [tilespmem:s21+$0xFFFFFFE0];
	[tilespmem:s20+$0xFFFFFFD0] =	vst v1;
	v0 =	vadd.f32 $-1.000000000e+00, v3;
	v3 =	vadd.f32 v5, v5  }
0x165: {  	v2 =	vld [tilespmem:s21+$0xFFFFFFF0];
	[tilespmem:s20+$0xFFFFFFE0] =	vst v10;
	v5 =	vadd.f32 v6, v6  }
0x166: {  	v7 =	vadd.f32 v7, v7;
	v1 =	vld [tilespmem:s21+$0x0];
	[tilespmem:s20+$0x0] =	vst v4;
	v10 =	vadd.f32 $-1.000000000e+00, v3  }
0x167: {  	v12 =	vadd.f32 v8, v8;
	[tilespmem:s20+$0xFFFFFFF0] =	vst v0;
	v0 =	vld [tilespmem:s21+$0x10];
	v13 =	vadd.f32 $-1.000000000e+00, v5  }
0x168: {  	v7 =	vadd.f32 $-1.000000000e+00, v7;
	v6 =	vadd.f32 v9, v9;
	v3 =	vld [tilespmem:s21+$0x20];
	[tilespmem:s20+$0x10] =	vst v10  }
0x169: {  	s5 =	simm.s32 $0x8;
	s13 =	smov.u32 s20;
	s14 =	sadd.s32 $0x400, s21;
	v8 =	vadd.f32 v11, v11;
	v4 =	vld [tilespmem:s21+$0xFFFFFFC0];
	v5 =	vadd.f32 $-1.000000000e+00, v12;
	[tilespmem:s20+$0x20] =	vst v13  }
.LBB2_32:
0x16a: {  	v9 =	vld [tilespmem:s14+$0x30];
	s5 =	sadd.s32 $0x8, s5;
	v6 =	vadd.f32 $-1.000000000e+00, v6;
	v2 =	vadd.f32 v2, v2;
	[tilespmem:s13+$0xFFFFFFC0] =	vst v7;
	s13 =	smov.u32 s21;
	s21 =	smov.u32 s14  }
0x16b: {  	v7 =	vld [tilespmem:s14+$0xFFFFFFD0];
	p0 =	slt.u32 s5, $0x38;
	v8 =	vadd.f32 $-1.000000000e+00, v8;
	v1 =	vadd.f32 v1, v1;
	[tilespmem:s13+$0x30] =	vst v5  }
0x16c: {  	v5 =	vld [tilespmem:s14+$0xFFFFFFE0];
	[tilespmem:s13+$0xFFFFFFD0] =	vst v6;
	v6 =	vadd.f32 $-1.000000000e+00, v2;
	v0 =	vadd.f32 v0, v0  }
.Ltmp14:
0x16d: {  	v2 =	vld [tilespmem:s14+$0xFFFFFFF0];
	[tilespmem:s13+$0xFFFFFFE0] =	vst v8;
	v8 =	vadd.f32 $-1.000000000e+00, v1;
	v3 =	vadd.f32 v3, v3;
	(pc) =	sbr.rel @p0 .LBB2_32-.Ltmp14, $4  }
0x16e: {  	v1 =	vld [tilespmem:s14+$0x0];
	v4 =	vadd.f32 v4, v4;
	[tilespmem:s13+$0xFFFFFFF0] =	vst v6;
	v10 =	vadd.f32 $-1.000000000e+00, v0  }
0x16f: {  	v0 =	vld [tilespmem:s14+$0x10];
	v9 =	vadd.f32 v9, v9;
	[tilespmem:s13+$0x0] =	vst v8;
	v11 =	vadd.f32 $-1.000000000e+00, v3  }
0x170: {  	v6 =	vadd.f32 v7, v7;
	v3 =	vld [tilespmem:s14+$0x20];
	v7 =	vadd.f32 $-1.000000000e+00, v4;
	[tilespmem:s13+$0x10] =	vst v10  }
0x171: {  	s14 =	sadd.s32 $0x400, s14;
	v4 =	vld [tilespmem:s21+$0xFFFFFFC0];
	v8 =	vadd.f32 v5, v5;
	v5 =	vadd.f32 $-1.000000000e+00, v9;
	[tilespmem:s13+$0x20] =	vst v11  }
0x172: {  	v6 =	vadd.f32 $-1.000000000e+00, v6;
	v2 =	vadd.f32 v2, v2;
	[tilespmem:s13+$0xFFFFFFC0] =	vst v7  }
0x173: {  	v61 =	vadd.f32 $-1.000000000e+00, v8;
	v1 =	vadd.f32 v1, v1;
	[tilespmem:s21+$0x30] =	vst v5  }
0x174: {  	s6 =	sadd.s32 $0x1, s6;
	[tilespmem:s21+$0xFFFFFFD0] =	vst v6;
	v2 =	vadd.f32 $-1.000000000e+00, v2;
	v0 =	vadd.f32 v0, v0  }
0x175: {  	p0 =	sne.s32 s6, $0x8;
	[tilespmem:s21+$0xFFFFFFE0] =	vst v61;
	v1 =	vadd.f32 $-1.000000000e+00, v1;
	v3 =	vadd.f32 v3, v3  }
.Ltmp15:
0x176: {  	v4 =	vadd.f32 v4, v4;
	[tilespmem:s21+$0xFFFFFFF0] =	vst v2;
	v0 =	vadd.f32 $-1.000000000e+00, v0;
	(pc) =	sbr.rel @p0 .LBB2_31-.Ltmp15, $4  }
0x177: {  	[tilespmem:s21+$0x0] =	vst v1;
	v62 =	vadd.f32 $-1.000000000e+00, v3  }
0x178: {  	v63 =	vadd.f32 $-1.000000000e+00, v4;
	[tilespmem:s21+$0x10] =	vst v0  }
0x179: {  	[tilespmem:s21+$0x20] =	vst v62  }
0x17a: {  	s20 =	sadd.s32 $0x80, s20;
	[tilespmem:s21+$0xFFFFFFC0] =	vst v63  }
0x17b: {  	s12 =	sadd.s32 $0x1, s12  }
0x17c: {  	p0 =	sne.s32 s12, $0x8  }
.Ltmp16:
0x17d: {  	_ = 	snop;
	(pc) =	sbr.rel @p0 .LBB2_2-.Ltmp16, $3  }
0x17e: {  	_ =	sdelay $0x1  }
0x17f: {  	s5 =	sadd.s32 s3, s10  }
0x180: {  	[hbm4b:s5+s4] =	stream.linear.scatter [tilespmem:s30], [sflag:$0x10], $0x2000, $0x38;
	[tilespmem:$0x10000] =	vst v63  }
0x181: {  	s5 =	simm.s32 $0x9  }
0x182: {  	_ =	swait.ge [sflag:s5], $0x2000  }
0x183: {  	[sflag:s5] =	ssyncset.done $0x0  }
0x184: {  	s14 =	simm.s32 $0xA;
	[sflag:s5] =	ssyncadd.s32 $0xFFFFE000  }
0x185: {  	_ =	swait.ge [sflag:s14], $0x2000  }
0x186: {  	[sflag:s14] =	ssyncset.done $0x0  }
0x187: {  	s20 =	simm.s32 $0xB;
	[sflag:s14] =	ssyncadd.s32 $0xFFFFE000  }
0x188: {  	_ =	swait.ge [sflag:s20], $0x2000  }
0x189: {  	[sflag:s20] =	ssyncset.done $0x0  }
0x18a: {  	s21 =	simm.s32 $0xC;
	[sflag:s20] =	ssyncadd.s32 $0xFFFFE000  }
0x18b: {  	_ =	swait.ge [sflag:s21], $0x2000  }
0x18c: {  	[sflag:s21] =	ssyncset.done $0x0  }
0x18d: {  	s22 =	simm.s32 $0xD;
	[sflag:s21] =	ssyncadd.s32 $0xFFFFE000  }
0x18e: {  	_ =	swait.ge [sflag:s22], $0x2000  }
0x18f: {  	[sflag:s22] =	ssyncset.done $0x0  }
0x190: {  	s23 =	simm.s32 $0xE;
	[sflag:s22] =	ssyncadd.s32 $0xFFFFE000  }
0x191: {  	_ =	swait.ge [sflag:s23], $0x2000  }
0x192: {  	[sflag:s23] =	ssyncset.done $0x0  }
0x193: {  	s24 =	simm.s32 $0xF;
	[sflag:s23] =	ssyncadd.s32 $0xFFFFE000  }
0x194: {  	_ =	swait.ge [sflag:s24], $0x2000  }
0x195: {  	[sflag:s24] =	ssyncset.done $0x0  }
0x196: {  	s6 =	simm.s32 $0x10;
	[sflag:s24] =	ssyncadd.s32 $0xFFFFE000  }
0x197: {  	_ =	swait.ge [sflag:s6], $0x2000  }
0x198: {  	s10 =	rddreg [dreg:$0xd]  }
0x199: {  	s25 =	rddreg [dreg:$0xc];
	s10 =	sadd.s32 $0x1, s10  }
0x19a: {  	p0 =	sne.s32 s10, s25  }
.Ltmp17:
0x19b: {  	_ = 	snop;
	(pc) =	sbr.rel @p0 .LBB2_1-.Ltmp17, $3  }
0x19c: {  	_ =	sdelay $0x1  }
0x19d: {  	[sflag:s6] =	ssyncset.done $0x0  }
0x19e: {  	[sflag:s6] =	ssyncadd.s32 $0xFFFFE000  }
0x19f: {  	_ =	sfence.sel $0x180000  }
0x1a0: {  	[bflag:$0x0] =	sbarrier.arrive $0xFFFF  }
0x1a1: {  	_ =	strace $0x90000047  }
0x1a2: {  	s0 =	stileid.u32;
	[bflag:$0x2] =	sbarrier.arrive $0xFFFF  }
0x1a3: {  	p0 =	sne.s32 s0, $0x0;
	s0 =	rddreg [dreg:$0x2]  }
0x1a4: {  	s0 =	sadd.s32 @!p0 $0x100000, s0  }
0x1a5: {  	[sflag:s0] =	ssyncadd.tile.s32 @!p0 $0x1;
	_ =	shalt  }
.Lfunc_end2:
_tile_overlayer_lowered:
.L_overlay_start_2:
0x1a6: {  	(tag) =	ssettag $0x2  }
0x1a7: {  	s0 =	rddreg [dreg:$0x0];
	s2 =	stileid.u32  }
0x1a8: {  	s1 =	rddreg [dreg:$0x1];
	p0 =	sne.s32 s2, $0x0  }
0x1a9: {  	s3 =	rddreg [dreg:$0x2];
	[bflag:$0x3] =	sbarrier.arrive $0xFFFF;
	s2 =	simm.s32 @!p0 $0x1C11  }
0x1aa: {  	[timem:s3], [sflag:s2] =	dma.local @!p0 [hbm:s0], s1  }
0x1ab: {  	s0 =	simm.s32 @!p0 $0x11  }
0x1ac: {  	_ =	swait.ge @!p0 [sflag:s0], s1  }
0x1ad: {  	s1 =	ssub.s32 @!p0 $0x0, s1;
	[sflag:s0] =	ssyncset.done @!p0 $0x0  }
0x1ae: {  	[sflag:s0] =	ssyncadd.s32 @!p0 s1  }
0x1af: {  	[bflag:$0x3] =	sbarrier.arrive $0xFFFF  }
0x1b0: {  	_ =	shalt  }

</sc_bundles>
